<compile_context>
chip_gen: v7x
topology: tpu7x:2x2x1
jax: 0.10.2.dev20260603
libtpu: 0.0.44.dev20260713+nightly
codegen_flags: <defaults>
</compile_context>

<pallas_src>
import functools

import jax
import jax.numpy as jnp
from jax import lax
from jax.experimental import pallas as pl
from jax.experimental.pallas import tpu as pltpu
from jax.experimental.pallas import tpu_sc as plsc

VOCAB = 100000
EMBED_DIM = 64
TOTAL = 4096 * 50

NC = 2
NS = 16
NW = NC * NS
B_PER_W = TOTAL // NW

CHUNK = 400
NCHUNKS = B_PER_W // CHUNK
NBUF = 4
PREF = 2

_mesh = plsc.VectorSubcoreMesh(core_axis_name="c", subcore_axis_name="s")


BATCH = 4096
HIST = 50
B_ROWS = B_PER_W // HIST
C_ROWS = CHUNK // HIST


@functools.partial(
    pl.kernel,
    mesh=_mesh,
    out_type=jax.ShapeDtypeStruct((BATCH, HIST, EMBED_DIM), jnp.float32),
    scratch_types=[
        pltpu.VMEM((NCHUNKS, CHUNK), jnp.int32),
        pltpu.VMEM((NBUF, CHUNK, EMBED_DIM), jnp.float32),
        [pltpu.SemaphoreType.DMA for _ in range(NBUF)],
        [pltpu.SemaphoreType.DMA for _ in range(NBUF)],
    ],
    compiler_params=pltpu.CompilerParams(use_tc_tiling_on_sc=False),
)
def _gather_kernel(idx_hbm, table_hbm, out_hbm, idx_v, rows_v, gsems, wsems):
    wid = lax.axis_index("s") * NC + lax.axis_index("c")
    bbase = wid * B_ROWS

    pltpu.sync_copy(idx_hbm.at[wid], idx_v)

    def write_chunk(j, ci):
        for k in range(C_ROWS):
            pltpu.async_copy(
                rows_v.at[j, pl.ds(k * HIST, HIST)],
                out_hbm.at[bbase + ci * C_ROWS + k],
                wsems[j],
            )

    def drain_write(j):
        pltpu.make_async_copy(
            table_hbm.at[pl.ds(0, CHUNK)], rows_v.at[j], wsems[j]
        ).wait()

    for b in range(PREF):
        pltpu.async_copy(table_hbm.at[idx_v.at[b]], rows_v.at[b], gsems[b])

    @pl.loop(0, NCHUNKS, step=NBUF)
    def _(g):
        for j in range(NBUF):
            ci = g + j
            pltpu.make_async_copy(
                table_hbm.at[idx_v.at[ci]], rows_v.at[j], gsems[j]
            ).wait()
            write_chunk(j, ci)
            nxt = ci + PREF

            @pl.when(nxt < NCHUNKS)
            def _():
                j2 = (j + PREF) % NBUF

                @pl.when(ci >= PREF)
                def _():
                    drain_write(j2)

                pltpu.async_copy(
                    table_hbm.at[idx_v.at[nxt]], rows_v.at[j2], gsems[j2]
                )

    for j in range(NBUF):
        drain_write(j)


def kernel(x, weights):
    idx = x.reshape(NW, NCHUNKS, CHUNK).astype(jnp.int32)
    return _gather_kernel(idx, weights)

# --- scband reference (transcript-rebuilt; emitter-appended) ---
"""Pipeline reference for scband-text-embedding-22591527977570 (READ-ONLY COPY).

The authoritative reference and input builder live on the scoring server;
editing this copy changes nothing except your own understanding.
"""

import jax, jax.numpy as jnp
import numpy as np

VOCAB = 100000
EMBED_DIM = 64
BATCH = 4096
HIST = 50

def setup_inputs(seed: int = 0) -> dict:
    key = jax.random.key(seed)
    k_idx, k_w = jax.random.split(key)
    x = jax.random.randint(k_idx, (BATCH, HIST), 0, VOCAB, dtype=jnp.int64)
    # pretrained embedding table (word2vec-style weights), trainable (freeze=False)
    weights = jax.random.normal(k_w, (VOCAB, EMBED_DIM), dtype=jnp.float32) * 0.1
    return {"x": x, "weights": weights}

def reference(x, weights):
    # nn.Embedding.from_pretrained(weights, freeze=False)(x) == table gather
    return jnp.take(weights, x, axis=0)

if __name__ == "__main__":
    import jax
    _d = setup_inputs()
    print(jax.jit(kernel)(*tuple(_d.values())))

</pallas_src>

<mosaic_0001>
#map = affine_map<(d0, d1) -> (0, 0, 0)>
#map1 = affine_map<(d0, d1) -> (0, 0)>
module attributes {stable_mosaic.version = 14 : i64} {
  func.func @_gather_kernel(%arg0: i32, %arg1: i32, %arg2: memref<32x16x400xi32, #tpu.memory_space<hbm>>, %arg3: memref<100000x64xf32, #tpu.memory_space<hbm>>, %arg4: memref<4096x50x64xf32, #tpu.memory_space<hbm>>, %arg5: memref<16x400xi32, #tpu.memory_space<vmem>>, %arg6: memref<4x400x64xf32, #tpu.memory_space<vmem>>, %arg7: memref<!tpu.dma_semaphore, #tpu.memory_space<semaphore_mem>>, %arg8: memref<!tpu.dma_semaphore, #tpu.memory_space<semaphore_mem>>, %arg9: memref<!tpu.dma_semaphore, #tpu.memory_space<semaphore_mem>>, %arg10: memref<!tpu.dma_semaphore, #tpu.memory_space<semaphore_mem>>, %arg11: memref<!tpu.dma_semaphore, #tpu.memory_space<semaphore_mem>>, %arg12: memref<!tpu.dma_semaphore, #tpu.memory_space<semaphore_mem>>, %arg13: memref<!tpu.dma_semaphore, #tpu.memory_space<semaphore_mem>>, %arg14: memref<!tpu.dma_semaphore, #tpu.memory_space<semaphore_mem>>) attributes {dimension_semantics = [#tpu.dimension_semantics<core_parallel>, #tpu.dimension_semantics<subcore_parallel>], iteration_bounds = array<i64: 2, 16>, scalar_prefetch = 0 : i64, scratch_operands = 10 : i64, tpu.core_type = #tpu.core_type<sc_vector_subcore>, window_params = [{transform_indices = #map}, {transform_indices = #map1}, {transform_indices = #map}]} {
    %mul3A = arith.constant 2 : i32
    %mul3A_0 = arith.muli %arg1, %mul3A : i32
    %add3A = arith.addi %mul3A_0, %arg0 : i32
    %mul3A_1 = arith.constant 128 : i32
    %mul3A_2 = arith.muli %add3A, %mul3A_1 : i32
    "tpu.region"() ({
      %run_scoped3A = tpu.sem_alloc : memref<!tpu.dma_semaphore, #tpu.memory_space<semaphore_mem>>
      %dma_start3A_89 = arith.constant 0 : i32
      %dma_start3A_90 = arith.constant 0 : i32
      %dma_start3A_91 = tpu.memref_slice %arg2[%add3A, %dma_start3A_89, %dma_start3A_90] : memref<32x16x400xi32, #tpu.memory_space<hbm>> -> memref<1x16x400xi32, #tpu.memory_space<hbm>>
      %dma_start3A_92 = tpu.memref_squeeze %dma_start3A_91 : memref<1x16x400xi32, #tpu.memory_space<hbm>> -> memref<16x400xi32, #tpu.memory_space<hbm>>
      %dma_start3A_93 = arith.constant 0 : i32
      %dma_start3A_94 = arith.constant 0 : i32
      %dma_start3A_95 = tpu.memref_slice %arg2[%add3A, %dma_start3A_93, %dma_start3A_94] : memref<32x16x400xi32, #tpu.memory_space<hbm>> -> memref<1x16x400xi32, #tpu.memory_space<hbm>>
      %dma_start3A_96 = tpu.memref_squeeze %dma_start3A_95 : memref<1x16x400xi32, #tpu.memory_space<hbm>> -> memref<16x400xi32, #tpu.memory_space<hbm>>
      tpu.enqueue_dma source(%dma_start3A_96 : memref<16x400xi32, #tpu.memory_space<hbm>>) target(%arg5 : memref<16x400xi32, #tpu.memory_space<vmem>>) target_semaphore(%run_scoped3A : memref<!tpu.dma_semaphore, #tpu.memory_space<semaphore_mem>>)
      %dma_wait3A_97 = arith.constant 0 : i32
      %dma_wait3A_98 = arith.constant 0 : i32
      %dma_wait3A_99 = tpu.memref_slice %arg2[%add3A, %dma_wait3A_97, %dma_wait3A_98] : memref<32x16x400xi32, #tpu.memory_space<hbm>> -> memref<1x16x400xi32, #tpu.memory_space<hbm>>
      %dma_wait3A_100 = tpu.memref_squeeze %dma_wait3A_99 : memref<1x16x400xi32, #tpu.memory_space<hbm>> -> memref<16x400xi32, #tpu.memory_space<hbm>>
      %dma_wait3A_101 = arith.constant 0 : i32
      %dma_wait3A_102 = arith.constant 0 : i32
      %dma_wait3A_103 = tpu.memref_slice %arg2[%add3A, %dma_wait3A_101, %dma_wait3A_102] : memref<32x16x400xi32, #tpu.memory_space<hbm>> -> memref<1x16x400xi32, #tpu.memory_space<hbm>>
      %dma_wait3A_104 = tpu.memref_squeeze %dma_wait3A_103 : memref<1x16x400xi32, #tpu.memory_space<hbm>> -> memref<16x400xi32, #tpu.memory_space<hbm>>
      tpu.wait_dma2 semaphore(%run_scoped3A : memref<!tpu.dma_semaphore, #tpu.memory_space<semaphore_mem>>) src(%dma_wait3A_104 : memref<16x400xi32, #tpu.memory_space<hbm>>) dst(%arg5 : memref<16x400xi32, #tpu.memory_space<vmem>>)
      tpu.yield
    }) : () -> ()
    %dma_start3A = arith.constant 0 : i32
    %dma_start3A_3 = arith.constant 0 : i32
    %dma_start3A_4 = arith.constant 0 : i32
    %dma_start3A_5 = arith.constant 0 : i32
    %dma_start3A_6 = tpu.memref_slice %arg6[%dma_start3A_3, %dma_start3A_4, %dma_start3A_5] : memref<4x400x64xf32, #tpu.memory_space<vmem>> -> memref<1x400x64xf32, #tpu.memory_space<vmem>>
    %dma_start3A_7 = tpu.memref_squeeze %dma_start3A_6 : memref<1x400x64xf32, #tpu.memory_space<vmem>> -> memref<400x64xf32, #tpu.memory_space<vmem>>
    %dma_start3A_8 = arith.constant 0 : i32
    %dma_start3A_9 = tpu.memref_slice %arg5[%dma_start3A, %dma_start3A_8] : memref<16x400xi32, #tpu.memory_space<vmem>> -> memref<1x400xi32, #tpu.memory_space<vmem>>
    %dma_start3A_10 = tpu.memref_squeeze %dma_start3A_9 : memref<1x400xi32, #tpu.memory_space<vmem>> -> memref<400xi32, #tpu.memory_space<vmem>>
    %dma_start3A_11 = arith.constant 0 : i32
    %dma_start3A_12 = arith.constant 0 : i32
    %dma_start3A_13 = tpu.memref_slice %arg3[%dma_start3A_11, %dma_start3A_12] : memref<100000x64xf32, #tpu.memory_space<hbm>> -> memref<100000x64xf32, #tpu.memory_space<hbm>>
    tpu.enqueue_indirect_dma source(%dma_start3A_13 : memref<100000x64xf32, #tpu.memory_space<hbm>>) target(%dma_start3A_7 : memref<400x64xf32, #tpu.memory_space<vmem>>) offsets(%dma_start3A_10 : memref<400xi32, #tpu.memory_space<vmem>>) semaphore(%arg7 : memref<!tpu.dma_semaphore, #tpu.memory_space<semaphore_mem>>)
    %dma_start3A_14 = arith.constant 1 : i32
    %dma_start3A_15 = arith.constant 1 : i32
    %dma_start3A_16 = arith.constant 0 : i32
    %dma_start3A_17 = arith.constant 0 : i32
    %dma_start3A_18 = tpu.memref_slice %arg6[%dma_start3A_15, %dma_start3A_16, %dma_start3A_17] : memref<4x400x64xf32, #tpu.memory_space<vmem>> -> memref<1x400x64xf32, #tpu.memory_space<vmem>>
    %dma_start3A_19 = tpu.memref_squeeze %dma_start3A_18 : memref<1x400x64xf32, #tpu.memory_space<vmem>> -> memref<400x64xf32, #tpu.memory_space<vmem>>
    %dma_start3A_20 = arith.constant 0 : i32
    %dma_start3A_21 = tpu.memref_slice %arg5[%dma_start3A_14, %dma_start3A_20] : memref<16x400xi32, #tpu.memory_space<vmem>> -> memref<1x400xi32, #tpu.memory_space<vmem>>
    %dma_start3A_22 = tpu.memref_squeeze %dma_start3A_21 : memref<1x400xi32, #tpu.memory_space<vmem>> -> memref<400xi32, #tpu.memory_space<vmem>>
    %dma_start3A_23 = arith.constant 0 : i32
    %dma_start3A_24 = arith.constant 0 : i32
    %dma_start3A_25 = tpu.memref_slice %arg3[%dma_start3A_23, %dma_start3A_24] : memref<100000x64xf32, #tpu.memory_space<hbm>> -> memref<100000x64xf32, #tpu.memory_space<hbm>>
    tpu.enqueue_indirect_dma source(%dma_start3A_25 : memref<100000x64xf32, #tpu.memory_space<hbm>>) target(%dma_start3A_19 : memref<400x64xf32, #tpu.memory_space<vmem>>) offsets(%dma_start3A_22 : memref<400xi32, #tpu.memory_space<vmem>>) semaphore(%arg8 : memref<!tpu.dma_semaphore, #tpu.memory_space<semaphore_mem>>)
    %scan3A = arith.constant 0 : i32
    %scan3A_26 = arith.constant 4 : i32
    %scan3A_27 = arith.addi %scan3A, %scan3A_26 : i32
    %scan3A_28 = arith.constant 1 : i32
    scf.for %scan3A_89 = %scan3A to %scan3A_27 step %scan3A_28  : i32 {
      %mul3A_90 = arith.constant 4 : i32
      %mul3A_91 = arith.muli %scan3A_89, %mul3A_90 : i32
      %add3A_92 = arith.constant 0 : i32
      %add3A_93 = arith.addi %add3A_92, %mul3A_91 : i32
      %add3A_94 = arith.constant 0 : i32
      %add3A_95 = arith.addi %add3A_93, %add3A_94 : i32
      %dma_wait3A_96 = arith.constant 0 : i32
      %dma_wait3A_97 = arith.constant 0 : i32
      %dma_wait3A_98 = arith.constant 0 : i32
      %dma_wait3A_99 = tpu.memref_slice %arg6[%dma_wait3A_96, %dma_wait3A_97, %dma_wait3A_98] : memref<4x400x64xf32, #tpu.memory_space<vmem>> -> memref<1x400x64xf32, #tpu.memory_space<vmem>>
      %dma_wait3A_100 = tpu.memref_squeeze %dma_wait3A_99 : memref<1x400x64xf32, #tpu.memory_space<vmem>> -> memref<400x64xf32, #tpu.memory_space<vmem>>
      %dma_wait3A_101 = arith.constant 0 : i32
      %dma_wait3A_102 = tpu.memref_slice %arg5[%add3A_95, %dma_wait3A_101] : memref<16x400xi32, #tpu.memory_space<vmem>> -> memref<1x400xi32, #tpu.memory_space<vmem>>
      %dma_wait3A_103 = tpu.memref_squeeze %dma_wait3A_102 : memref<1x400xi32, #tpu.memory_space<vmem>> -> memref<400xi32, #tpu.memory_space<vmem>>
      %dma_wait3A_104 = arith.constant 0 : i32
      %dma_wait3A_105 = arith.constant 0 : i32
      %dma_wait3A_106 = tpu.memref_slice %arg3[%dma_wait3A_104, %dma_wait3A_105] : memref<100000x64xf32, #tpu.memory_space<hbm>> -> memref<100000x64xf32, #tpu.memory_space<hbm>>
      tpu.wait_indirect_dma semaphore(%arg7 : memref<!tpu.dma_semaphore, #tpu.memory_space<semaphore_mem>>) src(%dma_wait3A_106 : memref<100000x64xf32, #tpu.memory_space<hbm>>) dst(%dma_wait3A_100 : memref<400x64xf32, #tpu.memory_space<vmem>>)
      %mul3A_107 = arith.constant 8 : i32
      %mul3A_108 = arith.muli %add3A_95, %mul3A_107 : i32
      %add3A_109 = arith.addi %mul3A_2, %mul3A_108 : i32
      %add3A_110 = arith.constant 0 : i32
      %add3A_111 = arith.addi %add3A_109, %add3A_110 : i32
      %dma_start3A_112 = arith.constant 0 : i32
      %dma_start3A_113 = arith.constant 0 : i32
      %dma_start3A_114 = arith.constant 0 : i32
      %dma_start3A_115 = tpu.memref_slice %arg6[%dma_start3A_112, %dma_start3A_113, %dma_start3A_114] : memref<4x400x64xf32, #tpu.memory_space<vmem>> -> memref<1x50x64xf32, #tpu.memory_space<vmem>>
      %dma_start3A_116 = tpu.memref_squeeze %dma_start3A_115 : memref<1x50x64xf32, #tpu.memory_space<vmem>> -> memref<50x64xf32, #tpu.memory_space<vmem>>
      %dma_start3A_117 = arith.constant 0 : i32
      %dma_start3A_118 = arith.constant 0 : i32
      %dma_start3A_119 = tpu.memref_slice %arg4[%add3A_111, %dma_start3A_117, %dma_start3A_118] : memref<4096x50x64xf32, #tpu.memory_space<hbm>> -> memref<1x50x64xf32, #tpu.memory_space<hbm>>
      %dma_start3A_120 = tpu.memref_squeeze %dma_start3A_119 : memref<1x50x64xf32, #tpu.memory_space<hbm>> -> memref<50x64xf32, #tpu.memory_space<hbm>>
      %dma_start3A_121 = arith.constant 0 : i32
      %dma_start3A_122 = arith.constant 0 : i32
      %dma_start3A_123 = tpu.memref_slice %arg4[%add3A_111, %dma_start3A_121, %dma_start3A_122] : memref<4096x50x64xf32, #tpu.memory_space<hbm>> -> memref<1x50x64xf32, #tpu.memory_space<hbm>>
      %dma_start3A_124 = tpu.memref_squeeze %dma_start3A_123 : memref<1x50x64xf32, #tpu.memory_space<hbm>> -> memref<50x64xf32, #tpu.memory_space<hbm>>
      %dma_start3A_125 = arith.constant 0 : i32
      %dma_start3A_126 = arith.constant 0 : i32
      %dma_start3A_127 = tpu.memref_slice %arg6[%dma_start3A_112, %dma_start3A_125, %dma_start3A_126] : memref<4x400x64xf32, #tpu.memory_space<vmem>> -> memref<1x50x64xf32, #tpu.memory_space<vmem>>
      %dma_start3A_128 = tpu.memref_squeeze %dma_start3A_127 : memref<1x50x64xf32, #tpu.memory_space<vmem>> -> memref<50x64xf32, #tpu.memory_space<vmem>>
      tpu.enqueue_dma source(%dma_start3A_128 : memref<50x64xf32, #tpu.memory_space<vmem>>) target(%dma_start3A_124 : memref<50x64xf32, #tpu.memory_space<hbm>>) target_semaphore(%arg11 : memref<!tpu.dma_semaphore, #tpu.memory_space<semaphore_mem>>)
      %mul3A_129 = arith.constant 8 : i32
      %mul3A_130 = arith.muli %add3A_95, %mul3A_129 : i32
      %add3A_131 = arith.addi %mul3A_2, %mul3A_130 : i32
      %add3A_132 = arith.constant 1 : i32
      %add3A_133 = arith.addi %add3A_131, %add3A_132 : i32
      %dma_start3A_134 = arith.constant 0 : i32
      %dma_start3A_135 = arith.constant 50 : i32
      %dma_start3A_136 = arith.constant 0 : i32
      %dma_start3A_137 = tpu.memref_slice %arg6[%dma_start3A_134, %dma_start3A_135, %dma_start3A_136] : memref<4x400x64xf32, #tpu.memory_space<vmem>> -> memref<1x50x64xf32, #tpu.memory_space<vmem>>
      %dma_start3A_138 = tpu.memref_squeeze %dma_start3A_137 : memref<1x50x64xf32, #tpu.memory_space<vmem>> -> memref<50x64xf32, #tpu.memory_space<vmem>>
      %dma_start3A_139 = arith.constant 0 : i32
      %dma_start3A_140 = arith.constant 0 : i32
      %dma_start3A_141 = tpu.memref_slice %arg4[%add3A_133, %dma_start3A_139, %dma_start3A_140] : memref<4096x50x64xf32, #tpu.memory_space<hbm>> -> memref<1x50x64xf32, #tpu.memory_space<hbm>>
      %dma_start3A_142 = tpu.memref_squeeze %dma_start3A_141 : memref<1x50x64xf32, #tpu.memory_space<hbm>> -> memref<50x64xf32, #tpu.memory_space<hbm>>
      %dma_start3A_143 = arith.constant 0 : i32
      %dma_start3A_144 = arith.constant 0 : i32
      %dma_start3A_145 = tpu.memref_slice %arg4[%add3A_133, %dma_start3A_143, %dma_start3A_144] : memref<4096x50x64xf32, #tpu.memory_space<hbm>> -> memref<1x50x64xf32, #tpu.memory_space<hbm>>
      %dma_start3A_146 = tpu.memref_squeeze %dma_start3A_145 : memref<1x50x64xf32, #tpu.memory_space<hbm>> -> memref<50x64xf32, #tpu.memory_space<hbm>>
      %dma_start3A_147 = arith.constant 50 : i32
      %dma_start3A_148 = arith.constant 0 : i32
      %dma_start3A_149 = tpu.memref_slice %arg6[%dma_start3A_134, %dma_start3A_147, %dma_start3A_148] : memref<4x400x64xf32, #tpu.memory_space<vmem>> -> memref<1x50x64xf32, #tpu.memory_space<vmem>>
      %dma_start3A_150 = tpu.memref_squeeze %dma_start3A_149 : memref<1x50x64xf32, #tpu.memory_space<vmem>> -> memref<50x64xf32, #tpu.memory_space<vmem>>
      tpu.enqueue_dma source(%dma_start3A_150 : memref<50x64xf32, #tpu.memory_space<vmem>>) target(%dma_start3A_146 : memref<50x64xf32, #tpu.memory_space<hbm>>) target_semaphore(%arg11 : memref<!tpu.dma_semaphore, #tpu.memory_space<semaphore_mem>>)
      %mul3A_151 = arith.constant 8 : i32
      %mul3A_152 = arith.muli %add3A_95, %mul3A_151 : i32
      %add3A_153 = arith.addi %mul3A_2, %mul3A_152 : i32
      %add3A_154 = arith.constant 2 : i32
      %add3A_155 = arith.addi %add3A_153, %add3A_154 : i32
      %dma_start3A_156 = arith.constant 0 : i32
      %dma_start3A_157 = arith.constant 100 : i32
      %dma_start3A_158 = arith.constant 0 : i32
      %dma_start3A_159 = tpu.memref_slice %arg6[%dma_start3A_156, %dma_start3A_157, %dma_start3A_158] : memref<4x400x64xf32, #tpu.memory_space<vmem>> -> memref<1x50x64xf32, #tpu.memory_space<vmem>>
      %dma_start3A_160 = tpu.memref_squeeze %dma_start3A_159 : memref<1x50x64xf32, #tpu.memory_space<vmem>> -> memref<50x64xf32, #tpu.memory_space<vmem>>
      %dma_start3A_161 = arith.constant 0 : i32
      %dma_start3A_162 = arith.constant 0 : i32
      %dma_start3A_163 = tpu.memref_slice %arg4[%add3A_155, %dma_start3A_161, %dma_start3A_162] : memref<4096x50x64xf32, #tpu.memory_space<hbm>> -> memref<1x50x64xf32, #tpu.memory_space<hbm>>
      %dma_start3A_164 = tpu.memref_squeeze %dma_start3A_163 : memref<1x50x64xf32, #tpu.memory_space<hbm>> -> memref<50x64xf32, #tpu.memory_space<hbm>>
      %dma_start3A_165 = arith.constant 0 : i32
      %dma_start3A_166 = arith.constant 0 : i32
      %dma_start3A_167 = tpu.memref_slice %arg4[%add3A_155, %dma_start3A_165, %dma_start3A_166] : memref<4096x50x64xf32, #tpu.memory_space<hbm>> -> memref<1x50x64xf32, #tpu.memory_space<hbm>>
      %dma_start3A_168 = tpu.memref_squeeze %dma_start3A_167 : memref<1x50x64xf32, #tpu.memory_space<hbm>> -> memref<50x64xf32, #tpu.memory_space<hbm>>
      %dma_start3A_169 = arith.constant 100 : i32
      %dma_start3A_170 = arith.constant 0 : i32
      %dma_start3A_171 = tpu.memref_slice %arg6[%dma_start3A_156, %dma_start3A_169, %dma_start3A_170] : memref<4x400x64xf32, #tpu.memory_space<vmem>> -> memref<1x50x64xf32, #tpu.memory_space<vmem>>
      %dma_start3A_172 = tpu.memref_squeeze %dma_start3A_171 : memref<1x50x64xf32, #tpu.memory_space<vmem>> -> memref<50x64xf32, #tpu.memory_space<vmem>>
      tpu.enqueue_dma source(%dma_start3A_172 : memref<50x64xf32, #tpu.memory_space<vmem>>) target(%dma_start3A_168 : memref<50x64xf32, #tpu.memory_space<hbm>>) target_semaphore(%arg11 : memref<!tpu.dma_semaphore, #tpu.memory_space<semaphore_mem>>)
      %mul3A_173 = arith.constant 8 : i32
      %mul3A_174 = arith.muli %add3A_95, %mul3A_173 : i32
      %add3A_175 = arith.addi %mul3A_2, %mul3A_174 : i32
      %add3A_176 = arith.constant 3 : i32
      %add3A_177 = arith.addi %add3A_175, %add3A_176 : i32
      %dma_start3A_178 = arith.constant 0 : i32
      %dma_start3A_179 = arith.constant 150 : i32
      %dma_start3A_180 = arith.constant 0 : i32
      %dma_start3A_181 = tpu.memref_slice %arg6[%dma_start3A_178, %dma_start3A_179, %dma_start3A_180] : memref<4x400x64xf32, #tpu.memory_space<vmem>> -> memref<1x50x64xf32, #tpu.memory_space<vmem>>
      %dma_start3A_182 = tpu.memref_squeeze %dma_start3A_181 : memref<1x50x64xf32, #tpu.memory_space<vmem>> -> memref<50x64xf32, #tpu.memory_space<vmem>>
      %dma_start3A_183 = arith.constant 0 : i32
      %dma_start3A_184 = arith.constant 0 : i32
      %dma_start3A_185 = tpu.memref_slice %arg4[%add3A_177, %dma_start3A_183, %dma_start3A_184] : memref<4096x50x64xf32, #tpu.memory_space<hbm>> -> memref<1x50x64xf32, #tpu.memory_space<hbm>>
      %dma_start3A_186 = tpu.memref_squeeze %dma_start3A_185 : memref<1x50x64xf32, #tpu.memory_space<hbm>> -> memref<50x64xf32, #tpu.memory_space<hbm>>
      %dma_start3A_187 = arith.constant 0 : i32
      %dma_start3A_188 = arith.constant 0 : i32
      %dma_start3A_189 = tpu.memref_slice %arg4[%add3A_177, %dma_start3A_187, %dma_start3A_188] : memref<4096x50x64xf32, #tpu.memory_space<hbm>> -> memref<1x50x64xf32, #tpu.memory_space<hbm>>
      %dma_start3A_190 = tpu.memref_squeeze %dma_start3A_189 : memref<1x50x64xf32, #tpu.memory_space<hbm>> -> memref<50x64xf32, #tpu.memory_space<hbm>>
      %dma_start3A_191 = arith.constant 150 : i32
      %dma_start3A_192 = arith.constant 0 : i32
      %dma_start3A_193 = tpu.memref_slice %arg6[%dma_start3A_178, %dma_start3A_191, %dma_start3A_192] : memref<4x400x64xf32, #tpu.memory_space<vmem>> -> memref<1x50x64xf32, #tpu.memory_space<vmem>>
      %dma_start3A_194 = tpu.memref_squeeze %dma_start3A_193 : memref<1x50x64xf32, #tpu.memory_space<vmem>> -> memref<50x64xf32, #tpu.memory_space<vmem>>
      tpu.enqueue_dma source(%dma_start3A_194 : memref<50x64xf32, #tpu.memory_space<vmem>>) target(%dma_start3A_190 : memref<50x64xf32, #tpu.memory_space<hbm>>) target_semaphore(%arg11 : memref<!tpu.dma_semaphore, #tpu.memory_space<semaphore_mem>>)
      %mul3A_195 = arith.constant 8 : i32
      %mul3A_196 = arith.muli %add3A_95, %mul3A_195 : i32
      %add3A_197 = arith.addi %mul3A_2, %mul3A_196 : i32
      %add3A_198 = arith.constant 4 : i32
      %add3A_199 = arith.addi %add3A_197, %add3A_198 : i32
      %dma_start3A_200 = arith.constant 0 : i32
      %dma_start3A_201 = arith.constant 200 : i32
      %dma_start3A_202 = arith.constant 0 : i32
      %dma_start3A_203 = tpu.memref_slice %arg6[%dma_start3A_200, %dma_start3A_201, %dma_start3A_202] : memref<4x400x64xf32, #tpu.memory_space<vmem>> -> memref<1x50x64xf32, #tpu.memory_space<vmem>>
      %dma_start3A_204 = tpu.memref_squeeze %dma_start3A_203 : memref<1x50x64xf32, #tpu.memory_space<vmem>> -> memref<50x64xf32, #tpu.memory_space<vmem>>
      %dma_start3A_205 = arith.constant 0 : i32
      %dma_start3A_206 = arith.constant 0 : i32
      %dma_start3A_207 = tpu.memref_slice %arg4[%add3A_199, %dma_start3A_205, %dma_start3A_206] : memref<4096x50x64xf32, #tpu.memory_space<hbm>> -> memref<1x50x64xf32, #tpu.memory_space<hbm>>
      %dma_start3A_208 = tpu.memref_squeeze %dma_start3A_207 : memref<1x50x64xf32, #tpu.memory_space<hbm>> -> memref<50x64xf32, #tpu.memory_space<hbm>>
      %dma_start3A_209 = arith.constant 0 : i32
      %dma_start3A_210 = arith.constant 0 : i32
      %dma_start3A_211 = tpu.memref_slice %arg4[%add3A_199, %dma_start3A_209, %dma_start3A_210] : memref<4096x50x64xf32, #tpu.memory_space<hbm>> -> memref<1x50x64xf32, #tpu.memory_space<hbm>>
      %dma_start3A_212 = tpu.memref_squeeze %dma_start3A_211 : memref<1x50x64xf32, #tpu.memory_space<hbm>> -> memref<50x64xf32, #tpu.memory_space<hbm>>
      %dma_start3A_213 = arith.constant 200 : i32
      %dma_start3A_214 = arith.constant 0 : i32
      %dma_start3A_215 = tpu.memref_slice %arg6[%dma_start3A_200, %dma_start3A_213, %dma_start3A_214] : memref<4x400x64xf32, #tpu.memory_space<vmem>> -> memref<1x50x64xf32, #tpu.memory_space<vmem>>
      %dma_start3A_216 = tpu.memref_squeeze %dma_start3A_215 : memref<1x50x64xf32, #tpu.memory_space<vmem>> -> memref<50x64xf32, #tpu.memory_space<vmem>>
      tpu.enqueue_dma source(%dma_start3A_216 : memref<50x64xf32, #tpu.memory_space<vmem>>) target(%dma_start3A_212 : memref<50x64xf32, #tpu.memory_space<hbm>>) target_semaphore(%arg11 : memref<!tpu.dma_semaphore, #tpu.memory_space<semaphore_mem>>)
      %mul3A_217 = arith.constant 8 : i32
      %mul3A_218 = arith.muli %add3A_95, %mul3A_217 : i32
      %add3A_219 = arith.addi %mul3A_2, %mul3A_218 : i32
      %add3A_220 = arith.constant 5 : i32
      %add3A_221 = arith.addi %add3A_219, %add3A_220 : i32
      %dma_start3A_222 = arith.constant 0 : i32
      %dma_start3A_223 = arith.constant 250 : i32
      %dma_start3A_224 = arith.constant 0 : i32
      %dma_start3A_225 = tpu.memref_slice %arg6[%dma_start3A_222, %dma_start3A_223, %dma_start3A_224] : memref<4x400x64xf32, #tpu.memory_space<vmem>> -> memref<1x50x64xf32, #tpu.memory_space<vmem>>
      %dma_start3A_226 = tpu.memref_squeeze %dma_start3A_225 : memref<1x50x64xf32, #tpu.memory_space<vmem>> -> memref<50x64xf32, #tpu.memory_space<vmem>>
      %dma_start3A_227 = arith.constant 0 : i32
      %dma_start3A_228 = arith.constant 0 : i32
      %dma_start3A_229 = tpu.memref_slice %arg4[%add3A_221, %dma_start3A_227, %dma_start3A_228] : memref<4096x50x64xf32, #tpu.memory_space<hbm>> -> memref<1x50x64xf32, #tpu.memory_space<hbm>>
      %dma_start3A_230 = tpu.memref_squeeze %dma_start3A_229 : memref<1x50x64xf32, #tpu.memory_space<hbm>> -> memref<50x64xf32, #tpu.memory_space<hbm>>
      %dma_start3A_231 = arith.constant 0 : i32
      %dma_start3A_232 = arith.constant 0 : i32
      %dma_start3A_233 = tpu.memref_slice %arg4[%add3A_221, %dma_start3A_231, %dma_start3A_232] : memref<4096x50x64xf32, #tpu.memory_space<hbm>> -> memref<1x50x64xf32, #tpu.memory_space<hbm>>
      %dma_start3A_234 = tpu.memref_squeeze %dma_start3A_233 : memref<1x50x64xf32, #tpu.memory_space<hbm>> -> memref<50x64xf32, #tpu.memory_space<hbm>>
      %dma_start3A_235 = arith.constant 250 : i32
      %dma_start3A_236 = arith.constant 0 : i32
      %dma_start3A_237 = tpu.memref_slice %arg6[%dma_start3A_222, %dma_start3A_235, %dma_start3A_236] : memref<4x400x64xf32, #tpu.memory_space<vmem>> -> memref<1x50x64xf32, #tpu.memory_space<vmem>>
      %dma_start3A_238 = tpu.memref_squeeze %dma_start3A_237 : memref<1x50x64xf32, #tpu.memory_space<vmem>> -> memref<50x64xf32, #tpu.memory_space<vmem>>
      tpu.enqueue_dma source(%dma_start3A_238 : memref<50x64xf32, #tpu.memory_space<vmem>>) target(%dma_start3A_234 : memref<50x64xf32, #tpu.memory_space<hbm>>) target_semaphore(%arg11 : memref<!tpu.dma_semaphore, #tpu.memory_space<semaphore_mem>>)
      %mul3A_239 = arith.constant 8 : i32
      %mul3A_240 = arith.muli %add3A_95, %mul3A_239 : i32
      %add3A_241 = arith.addi %mul3A_2, %mul3A_240 : i32
      %add3A_242 = arith.constant 6 : i32
      %add3A_243 = arith.addi %add3A_241, %add3A_242 : i32
      %dma_start3A_244 = arith.constant 0 : i32
      %dma_start3A_245 = arith.constant 300 : i32
      %dma_start3A_246 = arith.constant 0 : i32
      %dma_start3A_247 = tpu.memref_slice %arg6[%dma_start3A_244, %dma_start3A_245, %dma_start3A_246] : memref<4x400x64xf32, #tpu.memory_space<vmem>> -> memref<1x50x64xf32, #tpu.memory_space<vmem>>
      %dma_start3A_248 = tpu.memref_squeeze %dma_start3A_247 : memref<1x50x64xf32, #tpu.memory_space<vmem>> -> memref<50x64xf32, #tpu.memory_space<vmem>>
      %dma_start3A_249 = arith.constant 0 : i32
      %dma_start3A_250 = arith.constant 0 : i32
      %dma_start3A_251 = tpu.memref_slice %arg4[%add3A_243, %dma_start3A_249, %dma_start3A_250] : memref<4096x50x64xf32, #tpu.memory_space<hbm>> -> memref<1x50x64xf32, #tpu.memory_space<hbm>>
      %dma_start3A_252 = tpu.memref_squeeze %dma_start3A_251 : memref<1x50x64xf32, #tpu.memory_space<hbm>> -> memref<50x64xf32, #tpu.memory_space<hbm>>
      %dma_start3A_253 = arith.constant 0 : i32
      %dma_start3A_254 = arith.constant 0 : i32
      %dma_start3A_255 = tpu.memref_slice %arg4[%add3A_243, %dma_start3A_253, %dma_start3A_254] : memref<4096x50x64xf32, #tpu.memory_space<hbm>> -> memref<1x50x64xf32, #tpu.memory_space<hbm>>
      %dma_start3A_256 = tpu.memref_squeeze %dma_start3A_255 : memref<1x50x64xf32, #tpu.memory_space<hbm>> -> memref<50x64xf32, #tpu.memory_space<hbm>>
      %dma_start3A_257 = arith.constant 300 : i32
      %dma_start3A_258 = arith.constant 0 : i32
      %dma_start3A_259 = tpu.memref_slice %arg6[%dma_start3A_244, %dma_start3A_257, %dma_start3A_258] : memref<4x400x64xf32, #tpu.memory_space<vmem>> -> memref<1x50x64xf32, #tpu.memory_space<vmem>>
      %dma_start3A_260 = tpu.memref_squeeze %dma_start3A_259 : memref<1x50x64xf32, #tpu.memory_space<vmem>> -> memref<50x64xf32, #tpu.memory_space<vmem>>
      tpu.enqueue_dma source(%dma_start3A_260 : memref<50x64xf32, #tpu.memory_space<vmem>>) target(%dma_start3A_256 : memref<50x64xf32, #tpu.memory_space<hbm>>) target_semaphore(%arg11 : memref<!tpu.dma_semaphore, #tpu.memory_space<semaphore_mem>>)
      %mul3A_261 = arith.constant 8 : i32
      %mul3A_262 = arith.muli %add3A_95, %mul3A_261 : i32
      %add3A_263 = arith.addi %mul3A_2, %mul3A_262 : i32
      %add3A_264 = arith.constant 7 : i32
      %add3A_265 = arith.addi %add3A_263, %add3A_264 : i32
      %dma_start3A_266 = arith.constant 0 : i32
      %dma_start3A_267 = arith.constant 350 : i32
      %dma_start3A_268 = arith.constant 0 : i32
      %dma_start3A_269 = tpu.memref_slice %arg6[%dma_start3A_266, %dma_start3A_267, %dma_start3A_268] : memref<4x400x64xf32, #tpu.memory_space<vmem>> -> memref<1x50x64xf32, #tpu.memory_space<vmem>>
      %dma_start3A_270 = tpu.memref_squeeze %dma_start3A_269 : memref<1x50x64xf32, #tpu.memory_space<vmem>> -> memref<50x64xf32, #tpu.memory_space<vmem>>
      %dma_start3A_271 = arith.constant 0 : i32
      %dma_start3A_272 = arith.constant 0 : i32
      %dma_start3A_273 = tpu.memref_slice %arg4[%add3A_265, %dma_start3A_271, %dma_start3A_272] : memref<4096x50x64xf32, #tpu.memory_space<hbm>> -> memref<1x50x64xf32, #tpu.memory_space<hbm>>
      %dma_start3A_274 = tpu.memref_squeeze %dma_start3A_273 : memref<1x50x64xf32, #tpu.memory_space<hbm>> -> memref<50x64xf32, #tpu.memory_space<hbm>>
      %dma_start3A_275 = arith.constant 0 : i32
      %dma_start3A_276 = arith.constant 0 : i32
      %dma_start3A_277 = tpu.memref_slice %arg4[%add3A_265, %dma_start3A_275, %dma_start3A_276] : memref<4096x50x64xf32, #tpu.memory_space<hbm>> -> memref<1x50x64xf32, #tpu.memory_space<hbm>>
      %dma_start3A_278 = tpu.memref_squeeze %dma_start3A_277 : memref<1x50x64xf32, #tpu.memory_space<hbm>> -> memref<50x64xf32, #tpu.memory_space<hbm>>
      %dma_start3A_279 = arith.constant 350 : i32
      %dma_start3A_280 = arith.constant 0 : i32
      %dma_start3A_281 = tpu.memref_slice %arg6[%dma_start3A_266, %dma_start3A_279, %dma_start3A_280] : memref<4x400x64xf32, #tpu.memory_space<vmem>> -> memref<1x50x64xf32, #tpu.memory_space<vmem>>
      %dma_start3A_282 = tpu.memref_squeeze %dma_start3A_281 : memref<1x50x64xf32, #tpu.memory_space<vmem>> -> memref<50x64xf32, #tpu.memory_space<vmem>>
      tpu.enqueue_dma source(%dma_start3A_282 : memref<50x64xf32, #tpu.memory_space<vmem>>) target(%dma_start3A_278 : memref<50x64xf32, #tpu.memory_space<hbm>>) target_semaphore(%arg11 : memref<!tpu.dma_semaphore, #tpu.memory_space<semaphore_mem>>)
      %add3A_283 = arith.constant 2 : i32
      %add3A_284 = arith.addi %add3A_95, %add3A_283 : i32
      %lt3A = arith.constant 16 : i32
      %lt3A_285 = arith.cmpi slt, %add3A_284, %lt3A : i32
      %convert_element_type3A = arith.extui %lt3A_285 : i1 to i32
      %cond3A = arith.constant 0 : i32
      %cond3A_286 = arith.cmpi ne, %convert_element_type3A, %cond3A : i32
      scf.if %cond3A_286 {
        %ge3A = arith.constant 2 : i32
        %ge3A_875 = arith.cmpi sge, %add3A_95, %ge3A : i32
        %convert_element_type3A_876 = arith.extui %ge3A_875 : i1 to i32
        %cond3A_877 = arith.constant 0 : i32
        %cond3A_878 = arith.cmpi ne, %convert_element_type3A_876, %cond3A_877 : i32
        scf.if %cond3A_878 {
          %dma_wait3A_890 = arith.constant 2 : i32
          %dma_wait3A_891 = arith.constant 0 : i32
          %dma_wait3A_892 = arith.constant 0 : i32
          %dma_wait3A_893 = tpu.memref_slice %arg6[%dma_wait3A_890, %dma_wait3A_891, %dma_wait3A_892] : memref<4x400x64xf32, #tpu.memory_space<vmem>> -> memref<1x400x64xf32, #tpu.memory_space<vmem>>
          %dma_wait3A_894 = tpu.memref_squeeze %dma_wait3A_893 : memref<1x400x64xf32, #tpu.memory_space<vmem>> -> memref<400x64xf32, #tpu.memory_space<vmem>>
          %dma_wait3A_895 = arith.constant 0 : i32
          %dma_wait3A_896 = arith.constant 0 : i32
          %dma_wait3A_897 = tpu.memref_slice %arg3[%dma_wait3A_895, %dma_wait3A_896] : memref<100000x64xf32, #tpu.memory_space<hbm>> -> memref<400x64xf32, #tpu.memory_space<hbm>>
          %dma_wait3A_898 = arith.constant 0 : i32
          %dma_wait3A_899 = arith.constant 0 : i32
          %dma_wait3A_900 = tpu.memref_slice %arg6[%dma_wait3A_890, %dma_wait3A_898, %dma_wait3A_899] : memref<4x400x64xf32, #tpu.memory_space<vmem>> -> memref<1x400x64xf32, #tpu.memory_space<vmem>>
          %dma_wait3A_901 = tpu.memref_squeeze %dma_wait3A_900 : memref<1x400x64xf32, #tpu.memory_space<vmem>> -> memref<400x64xf32, #tpu.memory_space<vmem>>
          %dma_wait3A_902 = arith.constant 0 : i32
          %dma_wait3A_903 = arith.constant 0 : i32
          %dma_wait3A_904 = tpu.memref_slice %arg3[%dma_wait3A_902, %dma_wait3A_903] : memref<100000x64xf32, #tpu.memory_space<hbm>> -> memref<400x64xf32, #tpu.memory_space<hbm>>
          tpu.wait_dma2 semaphore(%arg13 : memref<!tpu.dma_semaphore, #tpu.memory_space<semaphore_mem>>) src(%dma_wait3A_904 : memref<400x64xf32, #tpu.memory_space<hbm>>) dst(%dma_wait3A_901 : memref<400x64xf32, #tpu.memory_space<vmem>>)
        } else {
        }
        %dma_start3A_879 = arith.constant 2 : i32
        %dma_start3A_880 = arith.constant 0 : i32
        %dma_start3A_881 = arith.constant 0 : i32
        %dma_start3A_882 = tpu.memref_slice %arg6[%dma_start3A_879, %dma_start3A_880, %dma_start3A_881] : memref<4x400x64xf32, #tpu.memory_space<vmem>> -> memref<1x400x64xf32, #tpu.memory_space<vmem>>
        %dma_start3A_883 = tpu.memref_squeeze %dma_start3A_882 : memref<1x400x64xf32, #tpu.memory_space<vmem>> -> memref<400x64xf32, #tpu.memory_space<vmem>>
        %dma_start3A_884 = arith.constant 0 : i32
        %dma_start3A_885 = tpu.memref_slice %arg5[%add3A_284, %dma_start3A_884] : memref<16x400xi32, #tpu.memory_space<vmem>> -> memref<1x400xi32, #tpu.memory_space<vmem>>
        %dma_start3A_886 = tpu.memref_squeeze %dma_start3A_885 : memref<1x400xi32, #tpu.memory_space<vmem>> -> memref<400xi32, #tpu.memory_space<vmem>>
        %dma_start3A_887 = arith.constant 0 : i32
        %dma_start3A_888 = arith.constant 0 : i32
        %dma_start3A_889 = tpu.memref_slice %arg3[%dma_start3A_887, %dma_start3A_888] : memref<100000x64xf32, #tpu.memory_space<hbm>> -> memref<100000x64xf32, #tpu.memory_space<hbm>>
        tpu.enqueue_indirect_dma source(%dma_start3A_889 : memref<100000x64xf32, #tpu.memory_space<hbm>>) target(%dma_start3A_883 : memref<400x64xf32, #tpu.memory_space<vmem>>) offsets(%dma_start3A_886 : memref<400xi32, #tpu.memory_space<vmem>>) semaphore(%arg9 : memref<!tpu.dma_semaphore, #tpu.memory_space<semaphore_mem>>)
      } else {
      }
      %add3A_287 = arith.constant 1 : i32
      %add3A_288 = arith.addi %add3A_93, %add3A_287 : i32
      %dma_wait3A_289 = arith.constant 1 : i32
      %dma_wait3A_290 = arith.constant 0 : i32
      %dma_wait3A_291 = arith.constant 0 : i32
      %dma_wait3A_292 = tpu.memref_slice %arg6[%dma_wait3A_289, %dma_wait3A_290, %dma_wait3A_291] : memref<4x400x64xf32, #tpu.memory_space<vmem>> -> memref<1x400x64xf32, #tpu.memory_space<vmem>>
      %dma_wait3A_293 = tpu.memref_squeeze %dma_wait3A_292 : memref<1x400x64xf32, #tpu.memory_space<vmem>> -> memref<400x64xf32, #tpu.memory_space<vmem>>
      %dma_wait3A_294 = arith.constant 0 : i32
      %dma_wait3A_295 = tpu.memref_slice %arg5[%add3A_288, %dma_wait3A_294] : memref<16x400xi32, #tpu.memory_space<vmem>> -> memref<1x400xi32, #tpu.memory_space<vmem>>
      %dma_wait3A_296 = tpu.memref_squeeze %dma_wait3A_295 : memref<1x400xi32, #tpu.memory_space<vmem>> -> memref<400xi32, #tpu.memory_space<vmem>>
      %dma_wait3A_297 = arith.constant 0 : i32
      %dma_wait3A_298 = arith.constant 0 : i32
      %dma_wait3A_299 = tpu.memref_slice %arg3[%dma_wait3A_297, %dma_wait3A_298] : memref<100000x64xf32, #tpu.memory_space<hbm>> -> memref<100000x64xf32, #tpu.memory_space<hbm>>
      tpu.wait_indirect_dma semaphore(%arg8 : memref<!tpu.dma_semaphore, #tpu.memory_space<semaphore_mem>>) src(%dma_wait3A_299 : memref<100000x64xf32, #tpu.memory_space<hbm>>) dst(%dma_wait3A_293 : memref<400x64xf32, #tpu.memory_space<vmem>>)
      %mul3A_300 = arith.constant 8 : i32
      %mul3A_301 = arith.muli %add3A_288, %mul3A_300 : i32
      %add3A_302 = arith.addi %mul3A_2, %mul3A_301 : i32
      %add3A_303 = arith.constant 0 : i32
      %add3A_304 = arith.addi %add3A_302, %add3A_303 : i32
      %dma_start3A_305 = arith.constant 1 : i32
      %dma_start3A_306 = arith.constant 0 : i32
      %dma_start3A_307 = arith.constant 0 : i32
      %dma_start3A_308 = tpu.memref_slice %arg6[%dma_start3A_305, %dma_start3A_306, %dma_start3A_307] : memref<4x400x64xf32, #tpu.memory_space<vmem>> -> memref<1x50x64xf32, #tpu.memory_space<vmem>>
      %dma_start3A_309 = tpu.memref_squeeze %dma_start3A_308 : memref<1x50x64xf32, #tpu.memory_space<vmem>> -> memref<50x64xf32, #tpu.memory_space<vmem>>
      %dma_start3A_310 = arith.constant 0 : i32
      %dma_start3A_311 = arith.constant 0 : i32
      %dma_start3A_312 = tpu.memref_slice %arg4[%add3A_304, %dma_start3A_310, %dma_start3A_311] : memref<4096x50x64xf32, #tpu.memory_space<hbm>> -> memref<1x50x64xf32, #tpu.memory_space<hbm>>
      %dma_start3A_313 = tpu.memref_squeeze %dma_start3A_312 : memref<1x50x64xf32, #tpu.memory_space<hbm>> -> memref<50x64xf32, #tpu.memory_space<hbm>>
      %dma_start3A_314 = arith.constant 0 : i32
      %dma_start3A_315 = arith.constant 0 : i32
      %dma_start3A_316 = tpu.memref_slice %arg4[%add3A_304, %dma_start3A_314, %dma_start3A_315] : memref<4096x50x64xf32, #tpu.memory_space<hbm>> -> memref<1x50x64xf32, #tpu.memory_space<hbm>>
      %dma_start3A_317 = tpu.memref_squeeze %dma_start3A_316 : memref<1x50x64xf32, #tpu.memory_space<hbm>> -> memref<50x64xf32, #tpu.memory_space<hbm>>
      %dma_start3A_318 = arith.constant 0 : i32
      %dma_start3A_319 = arith.constant 0 : i32
      %dma_start3A_320 = tpu.memref_slice %arg6[%dma_start3A_305, %dma_start3A_318, %dma_start3A_319] : memref<4x400x64xf32, #tpu.memory_space<vmem>> -> memref<1x50x64xf32, #tpu.memory_space<vmem>>
      %dma_start3A_321 = tpu.memref_squeeze %dma_start3A_320 : memref<1x50x64xf32, #tpu.memory_space<vmem>> -> memref<50x64xf32, #tpu.memory_space<vmem>>
      tpu.enqueue_dma source(%dma_start3A_321 : memref<50x64xf32, #tpu.memory_space<vmem>>) target(%dma_start3A_317 : memref<50x64xf32, #tpu.memory_space<hbm>>) target_semaphore(%arg12 : memref<!tpu.dma_semaphore, #tpu.memory_space<semaphore_mem>>)
      %mul3A_322 = arith.constant 8 : i32
      %mul3A_323 = arith.muli %add3A_288, %mul3A_322 : i32
      %add3A_324 = arith.addi %mul3A_2, %mul3A_323 : i32
      %add3A_325 = arith.constant 1 : i32
      %add3A_326 = arith.addi %add3A_324, %add3A_325 : i32
      %dma_start3A_327 = arith.constant 1 : i32
      %dma_start3A_328 = arith.constant 50 : i32
      %dma_start3A_329 = arith.constant 0 : i32
      %dma_start3A_330 = tpu.memref_slice %arg6[%dma_start3A_327, %dma_start3A_328, %dma_start3A_329] : memref<4x400x64xf32, #tpu.memory_space<vmem>> -> memref<1x50x64xf32, #tpu.memory_space<vmem>>
      %dma_start3A_331 = tpu.memref_squeeze %dma_start3A_330 : memref<1x50x64xf32, #tpu.memory_space<vmem>> -> memref<50x64xf32, #tpu.memory_space<vmem>>
      %dma_start3A_332 = arith.constant 0 : i32
      %dma_start3A_333 = arith.constant 0 : i32
      %dma_start3A_334 = tpu.memref_slice %arg4[%add3A_326, %dma_start3A_332, %dma_start3A_333] : memref<4096x50x64xf32, #tpu.memory_space<hbm>> -> memref<1x50x64xf32, #tpu.memory_space<hbm>>
      %dma_start3A_335 = tpu.memref_squeeze %dma_start3A_334 : memref<1x50x64xf32, #tpu.memory_space<hbm>> -> memref<50x64xf32, #tpu.memory_space<hbm>>
      %dma_start3A_336 = arith.constant 0 : i32
      %dma_start3A_337 = arith.constant 0 : i32
      %dma_start3A_338 = tpu.memref_slice %arg4[%add3A_326, %dma_start3A_336, %dma_start3A_337] : memref<4096x50x64xf32, #tpu.memory_space<hbm>> -> memref<1x50x64xf32, #tpu.memory_space<hbm>>
      %dma_start3A_339 = tpu.memref_squeeze %dma_start3A_338 : memref<1x50x64xf32, #tpu.memory_space<hbm>> -> memref<50x64xf32, #tpu.memory_space<hbm>>
      %dma_start3A_340 = arith.constant 50 : i32
      %dma_start3A_341 = arith.constant 0 : i32
      %dma_start3A_342 = tpu.memref_slice %arg6[%dma_start3A_327, %dma_start3A_340, %dma_start3A_341] : memref<4x400x64xf32, #tpu.memory_space<vmem>> -> memref<1x50x64xf32, #tpu.memory_space<vmem>>
      %dma_start3A_343 = tpu.memref_squeeze %dma_start3A_342 : memref<1x50x64xf32, #tpu.memory_space<vmem>> -> memref<50x64xf32, #tpu.memory_space<vmem>>
      tpu.enqueue_dma source(%dma_start3A_343 : memref<50x64xf32, #tpu.memory_space<vmem>>) target(%dma_start3A_339 : memref<50x64xf32, #tpu.memory_space<hbm>>) target_semaphore(%arg12 : memref<!tpu.dma_semaphore, #tpu.memory_space<semaphore_mem>>)
      %mul3A_344 = arith.constant 8 : i32
      %mul3A_345 = arith.muli %add3A_288, %mul3A_344 : i32
      %add3A_346 = arith.addi %mul3A_2, %mul3A_345 : i32
      %add3A_347 = arith.constant 2 : i32
      %add3A_348 = arith.addi %add3A_346, %add3A_347 : i32
      %dma_start3A_349 = arith.constant 1 : i32
      %dma_start3A_350 = arith.constant 100 : i32
      %dma_start3A_351 = arith.constant 0 : i32
      %dma_start3A_352 = tpu.memref_slice %arg6[%dma_start3A_349, %dma_start3A_350, %dma_start3A_351] : memref<4x400x64xf32, #tpu.memory_space<vmem>> -> memref<1x50x64xf32, #tpu.memory_space<vmem>>
      %dma_start3A_353 = tpu.memref_squeeze %dma_start3A_352 : memref<1x50x64xf32, #tpu.memory_space<vmem>> -> memref<50x64xf32, #tpu.memory_space<vmem>>
      %dma_start3A_354 = arith.constant 0 : i32
      %dma_start3A_355 = arith.constant 0 : i32
      %dma_start3A_356 = tpu.memref_slice %arg4[%add3A_348, %dma_start3A_354, %dma_start3A_355] : memref<4096x50x64xf32, #tpu.memory_space<hbm>> -> memref<1x50x64xf32, #tpu.memory_space<hbm>>
      %dma_start3A_357 = tpu.memref_squeeze %dma_start3A_356 : memref<1x50x64xf32, #tpu.memory_space<hbm>> -> memref<50x64xf32, #tpu.memory_space<hbm>>
      %dma_start3A_358 = arith.constant 0 : i32
      %dma_start3A_359 = arith.constant 0 : i32
      %dma_start3A_360 = tpu.memref_slice %arg4[%add3A_348, %dma_start3A_358, %dma_start3A_359] : memref<4096x50x64xf32, #tpu.memory_space<hbm>> -> memref<1x50x64xf32, #tpu.memory_space<hbm>>
      %dma_start3A_361 = tpu.memref_squeeze %dma_start3A_360 : memref<1x50x64xf32, #tpu.memory_space<hbm>> -> memref<50x64xf32, #tpu.memory_space<hbm>>
      %dma_start3A_362 = arith.constant 100 : i32
      %dma_start3A_363 = arith.constant 0 : i32
      %dma_start3A_364 = tpu.memref_slice %arg6[%dma_start3A_349, %dma_start3A_362, %dma_start3A_363] : memref<4x400x64xf32, #tpu.memory_space<vmem>> -> memref<1x50x64xf32, #tpu.memory_space<vmem>>
      %dma_start3A_365 = tpu.memref_squeeze %dma_start3A_364 : memref<1x50x64xf32, #tpu.memory_space<vmem>> -> memref<50x64xf32, #tpu.memory_space<vmem>>
      tpu.enqueue_dma source(%dma_start3A_365 : memref<50x64xf32, #tpu.memory_space<vmem>>) target(%dma_start3A_361 : memref<50x64xf32, #tpu.memory_space<hbm>>) target_semaphore(%arg12 : memref<!tpu.dma_semaphore, #tpu.memory_space<semaphore_mem>>)
      %mul3A_366 = arith.constant 8 : i32
      %mul3A_367 = arith.muli %add3A_288, %mul3A_366 : i32
      %add3A_368 = arith.addi %mul3A_2, %mul3A_367 : i32
      %add3A_369 = arith.constant 3 : i32
      %add3A_370 = arith.addi %add3A_368, %add3A_369 : i32
      %dma_start3A_371 = arith.constant 1 : i32
      %dma_start3A_372 = arith.constant 150 : i32
      %dma_start3A_373 = arith.constant 0 : i32
      %dma_start3A_374 = tpu.memref_slice %arg6[%dma_start3A_371, %dma_start3A_372, %dma_start3A_373] : memref<4x400x64xf32, #tpu.memory_space<vmem>> -> memref<1x50x64xf32, #tpu.memory_space<vmem>>
      %dma_start3A_375 = tpu.memref_squeeze %dma_start3A_374 : memref<1x50x64xf32, #tpu.memory_space<vmem>> -> memref<50x64xf32, #tpu.memory_space<vmem>>
      %dma_start3A_376 = arith.constant 0 : i32
      %dma_start3A_377 = arith.constant 0 : i32
      %dma_start3A_378 = tpu.memref_slice %arg4[%add3A_370, %dma_start3A_376, %dma_start3A_377] : memref<4096x50x64xf32, #tpu.memory_space<hbm>> -> memref<1x50x64xf32, #tpu.memory_space<hbm>>
      %dma_start3A_379 = tpu.memref_squeeze %dma_start3A_378 : memref<1x50x64xf32, #tpu.memory_space<hbm>> -> memref<50x64xf32, #tpu.memory_space<hbm>>
      %dma_start3A_380 = arith.constant 0 : i32
      %dma_start3A_381 = arith.constant 0 : i32
      %dma_start3A_382 = tpu.memref_slice %arg4[%add3A_370, %dma_start3A_380, %dma_start3A_381] : memref<4096x50x64xf32, #tpu.memory_space<hbm>> -> memref<1x50x64xf32, #tpu.memory_space<hbm>>
      %dma_start3A_383 = tpu.memref_squeeze %dma_start3A_382 : memref<1x50x64xf32, #tpu.memory_space<hbm>> -> memref<50x64xf32, #tpu.memory_space<hbm>>
      %dma_start3A_384 = arith.constant 150 : i32
      %dma_start3A_385 = arith.constant 0 : i32
      %dma_start3A_386 = tpu.memref_slice %arg6[%dma_start3A_371, %dma_start3A_384, %dma_start3A_385] : memref<4x400x64xf32, #tpu.memory_space<vmem>> -> memref<1x50x64xf32, #tpu.memory_space<vmem>>
      %dma_start3A_387 = tpu.memref_squeeze %dma_start3A_386 : memref<1x50x64xf32, #tpu.memory_space<vmem>> -> memref<50x64xf32, #tpu.memory_space<vmem>>
      tpu.enqueue_dma source(%dma_start3A_387 : memref<50x64xf32, #tpu.memory_space<vmem>>) target(%dma_start3A_383 : memref<50x64xf32, #tpu.memory_space<hbm>>) target_semaphore(%arg12 : memref<!tpu.dma_semaphore, #tpu.memory_space<semaphore_mem>>)
      %mul3A_388 = arith.constant 8 : i32
      %mul3A_389 = arith.muli %add3A_288, %mul3A_388 : i32
      %add3A_390 = arith.addi %mul3A_2, %mul3A_389 : i32
      %add3A_391 = arith.constant 4 : i32
      %add3A_392 = arith.addi %add3A_390, %add3A_391 : i32
      %dma_start3A_393 = arith.constant 1 : i32
      %dma_start3A_394 = arith.constant 200 : i32
      %dma_start3A_395 = arith.constant 0 : i32
      %dma_start3A_396 = tpu.memref_slice %arg6[%dma_start3A_393, %dma_start3A_394, %dma_start3A_395] : memref<4x400x64xf32, #tpu.memory_space<vmem>> -> memref<1x50x64xf32, #tpu.memory_space<vmem>>
      %dma_start3A_397 = tpu.memref_squeeze %dma_start3A_396 : memref<1x50x64xf32, #tpu.memory_space<vmem>> -> memref<50x64xf32, #tpu.memory_space<vmem>>
      %dma_start3A_398 = arith.constant 0 : i32
      %dma_start3A_399 = arith.constant 0 : i32
      %dma_start3A_400 = tpu.memref_slice %arg4[%add3A_392, %dma_start3A_398, %dma_start3A_399] : memref<4096x50x64xf32, #tpu.memory_space<hbm>> -> memref<1x50x64xf32, #tpu.memory_space<hbm>>
      %dma_start3A_401 = tpu.memref_squeeze %dma_start3A_400 : memref<1x50x64xf32, #tpu.memory_space<hbm>> -> memref<50x64xf32, #tpu.memory_space<hbm>>
      %dma_start3A_402 = arith.constant 0 : i32
      %dma_start3A_403 = arith.constant 0 : i32
      %dma_start3A_404 = tpu.memref_slice %arg4[%add3A_392, %dma_start3A_402, %dma_start3A_403] : memref<4096x50x64xf32, #tpu.memory_space<hbm>> -> memref<1x50x64xf32, #tpu.memory_space<hbm>>
      %dma_start3A_405 = tpu.memref_squeeze %dma_start3A_404 : memref<1x50x64xf32, #tpu.memory_space<hbm>> -> memref<50x64xf32, #tpu.memory_space<hbm>>
      %dma_start3A_406 = arith.constant 200 : i32
      %dma_start3A_407 = arith.constant 0 : i32
      %dma_start3A_408 = tpu.memref_slice %arg6[%dma_start3A_393, %dma_start3A_406, %dma_start3A_407] : memref<4x400x64xf32, #tpu.memory_space<vmem>> -> memref<1x50x64xf32, #tpu.memory_space<vmem>>
      %dma_start3A_409 = tpu.memref_squeeze %dma_start3A_408 : memref<1x50x64xf32, #tpu.memory_space<vmem>> -> memref<50x64xf32, #tpu.memory_space<vmem>>
      tpu.enqueue_dma source(%dma_start3A_409 : memref<50x64xf32, #tpu.memory_space<vmem>>) target(%dma_start3A_405 : memref<50x64xf32, #tpu.memory_space<hbm>>) target_semaphore(%arg12 : memref<!tpu.dma_semaphore, #tpu.memory_space<semaphore_mem>>)
      %mul3A_410 = arith.constant 8 : i32
      %mul3A_411 = arith.muli %add3A_288, %mul3A_410 : i32
      %add3A_412 = arith.addi %mul3A_2, %mul3A_411 : i32
      %add3A_413 = arith.constant 5 : i32
      %add3A_414 = arith.addi %add3A_412, %add3A_413 : i32
      %dma_start3A_415 = arith.constant 1 : i32
      %dma_start3A_416 = arith.constant 250 : i32
      %dma_start3A_417 = arith.constant 0 : i32
      %dma_start3A_418 = tpu.memref_slice %arg6[%dma_start3A_415, %dma_start3A_416, %dma_start3A_417] : memref<4x400x64xf32, #tpu.memory_space<vmem>> -> memref<1x50x64xf32, #tpu.memory_space<vmem>>
      %dma_start3A_419 = tpu.memref_squeeze %dma_start3A_418 : memref<1x50x64xf32, #tpu.memory_space<vmem>> -> memref<50x64xf32, #tpu.memory_space<vmem>>
      %dma_start3A_420 = arith.constant 0 : i32
      %dma_start3A_421 = arith.constant 0 : i32
      %dma_start3A_422 = tpu.memref_slice %arg4[%add3A_414, %dma_start3A_420, %dma_start3A_421] : memref<4096x50x64xf32, #tpu.memory_space<hbm>> -> memref<1x50x64xf32, #tpu.memory_space<hbm>>
      %dma_start3A_423 = tpu.memref_squeeze %dma_start3A_422 : memref<1x50x64xf32, #tpu.memory_space<hbm>> -> memref<50x64xf32, #tpu.memory_space<hbm>>
      %dma_start3A_424 = arith.constant 0 : i32
      %dma_start3A_425 = arith.constant 0 : i32
      %dma_start3A_426 = tpu.memref_slice %arg4[%add3A_414, %dma_start3A_424, %dma_start3A_425] : memref<4096x50x64xf32, #tpu.memory_space<hbm>> -> memref<1x50x64xf32, #tpu.memory_space<hbm>>
      %dma_start3A_427 = tpu.memref_squeeze %dma_start3A_426 : memref<1x50x64xf32, #tpu.memory_space<hbm>> -> memref<50x64xf32, #tpu.memory_space<hbm>>
      %dma_start3A_428 = arith.constant 250 : i32
      %dma_start3A_429 = arith.constant 0 : i32
      %dma_start3A_430 = tpu.memref_slice %arg6[%dma_start3A_415, %dma_start3A_428, %dma_start3A_429] : memref<4x400x64xf32, #tpu.memory_space<vmem>> -> memref<1x50x64xf32, #tpu.memory_space<vmem>>
      %dma_start3A_431 = tpu.memref_squeeze %dma_start3A_430 : memref<1x50x64xf32, #tpu.memory_space<vmem>> -> memref<50x64xf32, #tpu.memory_space<vmem>>
      tpu.enqueue_dma source(%dma_start3A_431 : memref<50x64xf32, #tpu.memory_space<vmem>>) target(%dma_start3A_427 : memref<50x64xf32, #tpu.memory_space<hbm>>) target_semaphore(%arg12 : memref<!tpu.dma_semaphore, #tpu.memory_space<semaphore_mem>>)
      %mul3A_432 = arith.constant 8 : i32
      %mul3A_433 = arith.muli %add3A_288, %mul3A_432 : i32
      %add3A_434 = arith.addi %mul3A_2, %mul3A_433 : i32
      %add3A_435 = arith.constant 6 : i32
      %add3A_436 = arith.addi %add3A_434, %add3A_435 : i32
      %dma_start3A_437 = arith.constant 1 : i32
      %dma_start3A_438 = arith.constant 300 : i32
      %dma_start3A_439 = arith.constant 0 : i32
      %dma_start3A_440 = tpu.memref_slice %arg6[%dma_start3A_437, %dma_start3A_438, %dma_start3A_439] : memref<4x400x64xf32, #tpu.memory_space<vmem>> -> memref<1x50x64xf32, #tpu.memory_space<vmem>>
      %dma_start3A_441 = tpu.memref_squeeze %dma_start3A_440 : memref<1x50x64xf32, #tpu.memory_space<vmem>> -> memref<50x64xf32, #tpu.memory_space<vmem>>
      %dma_start3A_442 = arith.constant 0 : i32
      %dma_start3A_443 = arith.constant 0 : i32
      %dma_start3A_444 = tpu.memref_slice %arg4[%add3A_436, %dma_start3A_442, %dma_start3A_443] : memref<4096x50x64xf32, #tpu.memory_space<hbm>> -> memref<1x50x64xf32, #tpu.memory_space<hbm>>
      %dma_start3A_445 = tpu.memref_squeeze %dma_start3A_444 : memref<1x50x64xf32, #tpu.memory_space<hbm>> -> memref<50x64xf32, #tpu.memory_space<hbm>>
      %dma_start3A_446 = arith.constant 0 : i32
      %dma_start3A_447 = arith.constant 0 : i32
      %dma_start3A_448 = tpu.memref_slice %arg4[%add3A_436, %dma_start3A_446, %dma_start3A_447] : memref<4096x50x64xf32, #tpu.memory_space<hbm>> -> memref<1x50x64xf32, #tpu.memory_space<hbm>>
      %dma_start3A_449 = tpu.memref_squeeze %dma_start3A_448 : memref<1x50x64xf32, #tpu.memory_space<hbm>> -> memref<50x64xf32, #tpu.memory_space<hbm>>
      %dma_start3A_450 = arith.constant 300 : i32
      %dma_start3A_451 = arith.constant 0 : i32
      %dma_start3A_452 = tpu.memref_slice %arg6[%dma_start3A_437, %dma_start3A_450, %dma_start3A_451] : memref<4x400x64xf32, #tpu.memory_space<vmem>> -> memref<1x50x64xf32, #tpu.memory_space<vmem>>
      %dma_start3A_453 = tpu.memref_squeeze %dma_start3A_452 : memref<1x50x64xf32, #tpu.memory_space<vmem>> -> memref<50x64xf32, #tpu.memory_space<vmem>>
      tpu.enqueue_dma source(%dma_start3A_453 : memref<50x64xf32, #tpu.memory_space<vmem>>) target(%dma_start3A_449 : memref<50x64xf32, #tpu.memory_space<hbm>>) target_semaphore(%arg12 : memref<!tpu.dma_semaphore, #tpu.memory_space<semaphore_mem>>)
      %mul3A_454 = arith.constant 8 : i32
      %mul3A_455 = arith.muli %add3A_288, %mul3A_454 : i32
      %add3A_456 = arith.addi %mul3A_2, %mul3A_455 : i32
      %add3A_457 = arith.constant 7 : i32
      %add3A_458 = arith.addi %add3A_456, %add3A_457 : i32
      %dma_start3A_459 = arith.constant 1 : i32
      %dma_start3A_460 = arith.constant 350 : i32
      %dma_start3A_461 = arith.constant 0 : i32
      %dma_start3A_462 = tpu.memref_slice %arg6[%dma_start3A_459, %dma_start3A_460, %dma_start3A_461] : memref<4x400x64xf32, #tpu.memory_space<vmem>> -> memref<1x50x64xf32, #tpu.memory_space<vmem>>
      %dma_start3A_463 = tpu.memref_squeeze %dma_start3A_462 : memref<1x50x64xf32, #tpu.memory_space<vmem>> -> memref<50x64xf32, #tpu.memory_space<vmem>>
      %dma_start3A_464 = arith.constant 0 : i32
      %dma_start3A_465 = arith.constant 0 : i32
      %dma_start3A_466 = tpu.memref_slice %arg4[%add3A_458, %dma_start3A_464, %dma_start3A_465] : memref<4096x50x64xf32, #tpu.memory_space<hbm>> -> memref<1x50x64xf32, #tpu.memory_space<hbm>>
      %dma_start3A_467 = tpu.memref_squeeze %dma_start3A_466 : memref<1x50x64xf32, #tpu.memory_space<hbm>> -> memref<50x64xf32, #tpu.memory_space<hbm>>
      %dma_start3A_468 = arith.constant 0 : i32
      %dma_start3A_469 = arith.constant 0 : i32
      %dma_start3A_470 = tpu.memref_slice %arg4[%add3A_458, %dma_start3A_468, %dma_start3A_469] : memref<4096x50x64xf32, #tpu.memory_space<hbm>> -> memref<1x50x64xf32, #tpu.memory_space<hbm>>
      %dma_start3A_471 = tpu.memref_squeeze %dma_start3A_470 : memref<1x50x64xf32, #tpu.memory_space<hbm>> -> memref<50x64xf32, #tpu.memory_space<hbm>>
      %dma_start3A_472 = arith.constant 350 : i32
      %dma_start3A_473 = arith.constant 0 : i32
      %dma_start3A_474 = tpu.memref_slice %arg6[%dma_start3A_459, %dma_start3A_472, %dma_start3A_473] : memref<4x400x64xf32, #tpu.memory_space<vmem>> -> memref<1x50x64xf32, #tpu.memory_space<vmem>>
      %dma_start3A_475 = tpu.memref_squeeze %dma_start3A_474 : memref<1x50x64xf32, #tpu.memory_space<vmem>> -> memref<50x64xf32, #tpu.memory_space<vmem>>
      tpu.enqueue_dma source(%dma_start3A_475 : memref<50x64xf32, #tpu.memory_space<vmem>>) target(%dma_start3A_471 : memref<50x64xf32, #tpu.memory_space<hbm>>) target_semaphore(%arg12 : memref<!tpu.dma_semaphore, #tpu.memory_space<semaphore_mem>>)
      %add3A_476 = arith.constant 2 : i32
      %add3A_477 = arith.addi %add3A_288, %add3A_476 : i32
      %lt3A_478 = arith.constant 16 : i32
      %lt3A_479 = arith.cmpi slt, %add3A_477, %lt3A_478 : i32
      %convert_element_type3A_480 = arith.extui %lt3A_479 : i1 to i32
      %cond3A_481 = arith.constant 0 : i32
      %cond3A_482 = arith.cmpi ne, %convert_element_type3A_480, %cond3A_481 : i32
      scf.if %cond3A_482 {
        %ge3A = arith.constant 2 : i32
        %ge3A_875 = arith.cmpi sge, %add3A_288, %ge3A : i32
        %convert_element_type3A_876 = arith.extui %ge3A_875 : i1 to i32
        %cond3A_877 = arith.constant 0 : i32
        %cond3A_878 = arith.cmpi ne, %convert_element_type3A_876, %cond3A_877 : i32
        scf.if %cond3A_878 {
          %dma_wait3A_890 = arith.constant 3 : i32
          %dma_wait3A_891 = arith.constant 0 : i32
          %dma_wait3A_892 = arith.constant 0 : i32
          %dma_wait3A_893 = tpu.memref_slice %arg6[%dma_wait3A_890, %dma_wait3A_891, %dma_wait3A_892] : memref<4x400x64xf32, #tpu.memory_space<vmem>> -> memref<1x400x64xf32, #tpu.memory_space<vmem>>
          %dma_wait3A_894 = tpu.memref_squeeze %dma_wait3A_893 : memref<1x400x64xf32, #tpu.memory_space<vmem>> -> memref<400x64xf32, #tpu.memory_space<vmem>>
          %dma_wait3A_895 = arith.constant 0 : i32
          %dma_wait3A_896 = arith.constant 0 : i32
          %dma_wait3A_897 = tpu.memref_slice %arg3[%dma_wait3A_895, %dma_wait3A_896] : memref<100000x64xf32, #tpu.memory_space<hbm>> -> memref<400x64xf32, #tpu.memory_space<hbm>>
          %dma_wait3A_898 = arith.constant 0 : i32
          %dma_wait3A_899 = arith.constant 0 : i32
          %dma_wait3A_900 = tpu.memref_slice %arg6[%dma_wait3A_890, %dma_wait3A_898, %dma_wait3A_899] : memref<4x400x64xf32, #tpu.memory_space<vmem>> -> memref<1x400x64xf32, #tpu.memory_space<vmem>>
          %dma_wait3A_901 = tpu.memref_squeeze %dma_wait3A_900 : memref<1x400x64xf32, #tpu.memory_space<vmem>> -> memref<400x64xf32, #tpu.memory_space<vmem>>
          %dma_wait3A_902 = arith.constant 0 : i32
          %dma_wait3A_903 = arith.constant 0 : i32
          %dma_wait3A_904 = tpu.memref_slice %arg3[%dma_wait3A_902, %dma_wait3A_903] : memref<100000x64xf32, #tpu.memory_space<hbm>> -> memref<400x64xf32, #tpu.memory_space<hbm>>
          tpu.wait_dma2 semaphore(%arg14 : memref<!tpu.dma_semaphore, #tpu.memory_space<semaphore_mem>>) src(%dma_wait3A_904 : memref<400x64xf32, #tpu.memory_space<hbm>>) dst(%dma_wait3A_901 : memref<400x64xf32, #tpu.memory_space<vmem>>)
        } else {
        }
        %dma_start3A_879 = arith.constant 3 : i32
        %dma_start3A_880 = arith.constant 0 : i32
        %dma_start3A_881 = arith.constant 0 : i32
        %dma_start3A_882 = tpu.memref_slice %arg6[%dma_start3A_879, %dma_start3A_880, %dma_start3A_881] : memref<4x400x64xf32, #tpu.memory_space<vmem>> -> memref<1x400x64xf32, #tpu.memory_space<vmem>>
        %dma_start3A_883 = tpu.memref_squeeze %dma_start3A_882 : memref<1x400x64xf32, #tpu.memory_space<vmem>> -> memref<400x64xf32, #tpu.memory_space<vmem>>
        %dma_start3A_884 = arith.constant 0 : i32
        %dma_start3A_885 = tpu.memref_slice %arg5[%add3A_477, %dma_start3A_884] : memref<16x400xi32, #tpu.memory_space<vmem>> -> memref<1x400xi32, #tpu.memory_space<vmem>>
        %dma_start3A_886 = tpu.memref_squeeze %dma_start3A_885 : memref<1x400xi32, #tpu.memory_space<vmem>> -> memref<400xi32, #tpu.memory_space<vmem>>
        %dma_start3A_887 = arith.constant 0 : i32
        %dma_start3A_888 = arith.constant 0 : i32
        %dma_start3A_889 = tpu.memref_slice %arg3[%dma_start3A_887, %dma_start3A_888] : memref<100000x64xf32, #tpu.memory_space<hbm>> -> memref<100000x64xf32, #tpu.memory_space<hbm>>
        tpu.enqueue_indirect_dma source(%dma_start3A_889 : memref<100000x64xf32, #tpu.memory_space<hbm>>) target(%dma_start3A_883 : memref<400x64xf32, #tpu.memory_space<vmem>>) offsets(%dma_start3A_886 : memref<400xi32, #tpu.memory_space<vmem>>) semaphore(%arg10 : memref<!tpu.dma_semaphore, #tpu.memory_space<semaphore_mem>>)
      } else {
      }
      %add3A_483 = arith.constant 2 : i32
      %add3A_484 = arith.addi %add3A_93, %add3A_483 : i32
      %dma_wait3A_485 = arith.constant 2 : i32
      %dma_wait3A_486 = arith.constant 0 : i32
      %dma_wait3A_487 = arith.constant 0 : i32
      %dma_wait3A_488 = tpu.memref_slice %arg6[%dma_wait3A_485, %dma_wait3A_486, %dma_wait3A_487] : memref<4x400x64xf32, #tpu.memory_space<vmem>> -> memref<1x400x64xf32, #tpu.memory_space<vmem>>
      %dma_wait3A_489 = tpu.memref_squeeze %dma_wait3A_488 : memref<1x400x64xf32, #tpu.memory_space<vmem>> -> memref<400x64xf32, #tpu.memory_space<vmem>>
      %dma_wait3A_490 = arith.constant 0 : i32
      %dma_wait3A_491 = tpu.memref_slice %arg5[%add3A_484, %dma_wait3A_490] : memref<16x400xi32, #tpu.memory_space<vmem>> -> memref<1x400xi32, #tpu.memory_space<vmem>>
      %dma_wait3A_492 = tpu.memref_squeeze %dma_wait3A_491 : memref<1x400xi32, #tpu.memory_space<vmem>> -> memref<400xi32, #tpu.memory_space<vmem>>
      %dma_wait3A_493 = arith.constant 0 : i32
      %dma_wait3A_494 = arith.constant 0 : i32
      %dma_wait3A_495 = tpu.memref_slice %arg3[%dma_wait3A_493, %dma_wait3A_494] : memref<100000x64xf32, #tpu.memory_space<hbm>> -> memref<100000x64xf32, #tpu.memory_space<hbm>>
      tpu.wait_indirect_dma semaphore(%arg9 : memref<!tpu.dma_semaphore, #tpu.memory_space<semaphore_mem>>) src(%dma_wait3A_495 : memref<100000x64xf32, #tpu.memory_space<hbm>>) dst(%dma_wait3A_489 : memref<400x64xf32, #tpu.memory_space<vmem>>)
      %mul3A_496 = arith.constant 8 : i32
      %mul3A_497 = arith.muli %add3A_484, %mul3A_496 : i32
      %add3A_498 = arith.addi %mul3A_2, %mul3A_497 : i32
      %add3A_499 = arith.constant 0 : i32
      %add3A_500 = arith.addi %add3A_498, %add3A_499 : i32
      %dma_start3A_501 = arith.constant 2 : i32
      %dma_start3A_502 = arith.constant 0 : i32
      %dma_start3A_503 = arith.constant 0 : i32
      %dma_start3A_504 = tpu.memref_slice %arg6[%dma_start3A_501, %dma_start3A_502, %dma_start3A_503] : memref<4x400x64xf32, #tpu.memory_space<vmem>> -> memref<1x50x64xf32, #tpu.memory_space<vmem>>
      %dma_start3A_505 = tpu.memref_squeeze %dma_start3A_504 : memref<1x50x64xf32, #tpu.memory_space<vmem>> -> memref<50x64xf32, #tpu.memory_space<vmem>>
      %dma_start3A_506 = arith.constant 0 : i32
      %dma_start3A_507 = arith.constant 0 : i32
      %dma_start3A_508 = tpu.memref_slice %arg4[%add3A_500, %dma_start3A_506, %dma_start3A_507] : memref<4096x50x64xf32, #tpu.memory_space<hbm>> -> memref<1x50x64xf32, #tpu.memory_space<hbm>>
      %dma_start3A_509 = tpu.memref_squeeze %dma_start3A_508 : memref<1x50x64xf32, #tpu.memory_space<hbm>> -> memref<50x64xf32, #tpu.memory_space<hbm>>
      %dma_start3A_510 = arith.constant 0 : i32
      %dma_start3A_511 = arith.constant 0 : i32
      %dma_start3A_512 = tpu.memref_slice %arg4[%add3A_500, %dma_start3A_510, %dma_start3A_511] : memref<4096x50x64xf32, #tpu.memory_space<hbm>> -> memref<1x50x64xf32, #tpu.memory_space<hbm>>
      %dma_start3A_513 = tpu.memref_squeeze %dma_start3A_512 : memref<1x50x64xf32, #tpu.memory_space<hbm>> -> memref<50x64xf32, #tpu.memory_space<hbm>>
      %dma_start3A_514 = arith.constant 0 : i32
      %dma_start3A_515 = arith.constant 0 : i32
      %dma_start3A_516 = tpu.memref_slice %arg6[%dma_start3A_501, %dma_start3A_514, %dma_start3A_515] : memref<4x400x64xf32, #tpu.memory_space<vmem>> -> memref<1x50x64xf32, #tpu.memory_space<vmem>>
      %dma_start3A_517 = tpu.memref_squeeze %dma_start3A_516 : memref<1x50x64xf32, #tpu.memory_space<vmem>> -> memref<50x64xf32, #tpu.memory_space<vmem>>
      tpu.enqueue_dma source(%dma_start3A_517 : memref<50x64xf32, #tpu.memory_space<vmem>>) target(%dma_start3A_513 : memref<50x64xf32, #tpu.memory_space<hbm>>) target_semaphore(%arg13 : memref<!tpu.dma_semaphore, #tpu.memory_space<semaphore_mem>>)
      %mul3A_518 = arith.constant 8 : i32
      %mul3A_519 = arith.muli %add3A_484, %mul3A_518 : i32
      %add3A_520 = arith.addi %mul3A_2, %mul3A_519 : i32
      %add3A_521 = arith.constant 1 : i32
      %add3A_522 = arith.addi %add3A_520, %add3A_521 : i32
      %dma_start3A_523 = arith.constant 2 : i32
      %dma_start3A_524 = arith.constant 50 : i32
      %dma_start3A_525 = arith.constant 0 : i32
      %dma_start3A_526 = tpu.memref_slice %arg6[%dma_start3A_523, %dma_start3A_524, %dma_start3A_525] : memref<4x400x64xf32, #tpu.memory_space<vmem>> -> memref<1x50x64xf32, #tpu.memory_space<vmem>>
      %dma_start3A_527 = tpu.memref_squeeze %dma_start3A_526 : memref<1x50x64xf32, #tpu.memory_space<vmem>> -> memref<50x64xf32, #tpu.memory_space<vmem>>
      %dma_start3A_528 = arith.constant 0 : i32
      %dma_start3A_529 = arith.constant 0 : i32
      %dma_start3A_530 = tpu.memref_slice %arg4[%add3A_522, %dma_start3A_528, %dma_start3A_529] : memref<4096x50x64xf32, #tpu.memory_space<hbm>> -> memref<1x50x64xf32, #tpu.memory_space<hbm>>
      %dma_start3A_531 = tpu.memref_squeeze %dma_start3A_530 : memref<1x50x64xf32, #tpu.memory_space<hbm>> -> memref<50x64xf32, #tpu.memory_space<hbm>>
      %dma_start3A_532 = arith.constant 0 : i32
      %dma_start3A_533 = arith.constant 0 : i32
      %dma_start3A_534 = tpu.memref_slice %arg4[%add3A_522, %dma_start3A_532, %dma_start3A_533] : memref<4096x50x64xf32, #tpu.memory_space<hbm>> -> memref<1x50x64xf32, #tpu.memory_space<hbm>>
      %dma_start3A_535 = tpu.memref_squeeze %dma_start3A_534 : memref<1x50x64xf32, #tpu.memory_space<hbm>> -> memref<50x64xf32, #tpu.memory_space<hbm>>
      %dma_start3A_536 = arith.constant 50 : i32
      %dma_start3A_537 = arith.constant 0 : i32
      %dma_start3A_538 = tpu.memref_slice %arg6[%dma_start3A_523, %dma_start3A_536, %dma_start3A_537] : memref<4x400x64xf32, #tpu.memory_space<vmem>> -> memref<1x50x64xf32, #tpu.memory_space<vmem>>
      %dma_start3A_539 = tpu.memref_squeeze %dma_start3A_538 : memref<1x50x64xf32, #tpu.memory_space<vmem>> -> memref<50x64xf32, #tpu.memory_space<vmem>>
      tpu.enqueue_dma source(%dma_start3A_539 : memref<50x64xf32, #tpu.memory_space<vmem>>) target(%dma_start3A_535 : memref<50x64xf32, #tpu.memory_space<hbm>>) target_semaphore(%arg13 : memref<!tpu.dma_semaphore, #tpu.memory_space<semaphore_mem>>)
      %mul3A_540 = arith.constant 8 : i32
      %mul3A_541 = arith.muli %add3A_484, %mul3A_540 : i32
      %add3A_542 = arith.addi %mul3A_2, %mul3A_541 : i32
      %add3A_543 = arith.constant 2 : i32
      %add3A_544 = arith.addi %add3A_542, %add3A_543 : i32
      %dma_start3A_545 = arith.constant 2 : i32
      %dma_start3A_546 = arith.constant 100 : i32
      %dma_start3A_547 = arith.constant 0 : i32
      %dma_start3A_548 = tpu.memref_slice %arg6[%dma_start3A_545, %dma_start3A_546, %dma_start3A_547] : memref<4x400x64xf32, #tpu.memory_space<vmem>> -> memref<1x50x64xf32, #tpu.memory_space<vmem>>
      %dma_start3A_549 = tpu.memref_squeeze %dma_start3A_548 : memref<1x50x64xf32, #tpu.memory_space<vmem>> -> memref<50x64xf32, #tpu.memory_space<vmem>>
      %dma_start3A_550 = arith.constant 0 : i32
      %dma_start3A_551 = arith.constant 0 : i32
      %dma_start3A_552 = tpu.memref_slice %arg4[%add3A_544, %dma_start3A_550, %dma_start3A_551] : memref<4096x50x64xf32, #tpu.memory_space<hbm>> -> memref<1x50x64xf32, #tpu.memory_space<hbm>>
      %dma_start3A_553 = tpu.memref_squeeze %dma_start3A_552 : memref<1x50x64xf32, #tpu.memory_space<hbm>> -> memref<50x64xf32, #tpu.memory_space<hbm>>
      %dma_start3A_554 = arith.constant 0 : i32
      %dma_start3A_555 = arith.constant 0 : i32
      %dma_start3A_556 = tpu.memref_slice %arg4[%add3A_544, %dma_start3A_554, %dma_start3A_555] : memref<4096x50x64xf32, #tpu.memory_space<hbm>> -> memref<1x50x64xf32, #tpu.memory_space<hbm>>
      %dma_start3A_557 = tpu.memref_squeeze %dma_start3A_556 : memref<1x50x64xf32, #tpu.memory_space<hbm>> -> memref<50x64xf32, #tpu.memory_space<hbm>>
      %dma_start3A_558 = arith.constant 100 : i32
      %dma_start3A_559 = arith.constant 0 : i32
      %dma_start3A_560 = tpu.memref_slice %arg6[%dma_start3A_545, %dma_start3A_558, %dma_start3A_559] : memref<4x400x64xf32, #tpu.memory_space<vmem>> -> memref<1x50x64xf32, #tpu.memory_space<vmem>>
      %dma_start3A_561 = tpu.memref_squeeze %dma_start3A_560 : memref<1x50x64xf32, #tpu.memory_space<vmem>> -> memref<50x64xf32, #tpu.memory_space<vmem>>
      tpu.enqueue_dma source(%dma_start3A_561 : memref<50x64xf32, #tpu.memory_space<vmem>>) target(%dma_start3A_557 : memref<50x64xf32, #tpu.memory_space<hbm>>) target_semaphore(%arg13 : memref<!tpu.dma_semaphore, #tpu.memory_space<semaphore_mem>>)
      %mul3A_562 = arith.constant 8 : i32
      %mul3A_563 = arith.muli %add3A_484, %mul3A_562 : i32
      %add3A_564 = arith.addi %mul3A_2, %mul3A_563 : i32
      %add3A_565 = arith.constant 3 : i32
      %add3A_566 = arith.addi %add3A_564, %add3A_565 : i32
      %dma_start3A_567 = arith.constant 2 : i32
      %dma_start3A_568 = arith.constant 150 : i32
      %dma_start3A_569 = arith.constant 0 : i32
      %dma_start3A_570 = tpu.memref_slice %arg6[%dma_start3A_567, %dma_start3A_568, %dma_start3A_569] : memref<4x400x64xf32, #tpu.memory_space<vmem>> -> memref<1x50x64xf32, #tpu.memory_space<vmem>>
      %dma_start3A_571 = tpu.memref_squeeze %dma_start3A_570 : memref<1x50x64xf32, #tpu.memory_space<vmem>> -> memref<50x64xf32, #tpu.memory_space<vmem>>
      %dma_start3A_572 = arith.constant 0 : i32
      %dma_start3A_573 = arith.constant 0 : i32
      %dma_start3A_574 = tpu.memref_slice %arg4[%add3A_566, %dma_start3A_572, %dma_start3A_573] : memref<4096x50x64xf32, #tpu.memory_space<hbm>> -> memref<1x50x64xf32, #tpu.memory_space<hbm>>
      %dma_start3A_575 = tpu.memref_squeeze %dma_start3A_574 : memref<1x50x64xf32, #tpu.memory_space<hbm>> -> memref<50x64xf32, #tpu.memory_space<hbm>>
      %dma_start3A_576 = arith.constant 0 : i32
      %dma_start3A_577 = arith.constant 0 : i32
      %dma_start3A_578 = tpu.memref_slice %arg4[%add3A_566, %dma_start3A_576, %dma_start3A_577] : memref<4096x50x64xf32, #tpu.memory_space<hbm>> -> memref<1x50x64xf32, #tpu.memory_space<hbm>>
      %dma_start3A_579 = tpu.memref_squeeze %dma_start3A_578 : memref<1x50x64xf32, #tpu.memory_space<hbm>> -> memref<50x64xf32, #tpu.memory_space<hbm>>
      %dma_start3A_580 = arith.constant 150 : i32
      %dma_start3A_581 = arith.constant 0 : i32
      %dma_start3A_582 = tpu.memref_slice %arg6[%dma_start3A_567, %dma_start3A_580, %dma_start3A_581] : memref<4x400x64xf32, #tpu.memory_space<vmem>> -> memref<1x50x64xf32, #tpu.memory_space<vmem>>
      %dma_start3A_583 = tpu.memref_squeeze %dma_start3A_582 : memref<1x50x64xf32, #tpu.memory_space<vmem>> -> memref<50x64xf32, #tpu.memory_space<vmem>>
      tpu.enqueue_dma source(%dma_start3A_583 : memref<50x64xf32, #tpu.memory_space<vmem>>) target(%dma_start3A_579 : memref<50x64xf32, #tpu.memory_space<hbm>>) target_semaphore(%arg13 : memref<!tpu.dma_semaphore, #tpu.memory_space<semaphore_mem>>)
      %mul3A_584 = arith.constant 8 : i32
      %mul3A_585 = arith.muli %add3A_484, %mul3A_584 : i32
      %add3A_586 = arith.addi %mul3A_2, %mul3A_585 : i32
      %add3A_587 = arith.constant 4 : i32
      %add3A_588 = arith.addi %add3A_586, %add3A_587 : i32
      %dma_start3A_589 = arith.constant 2 : i32
      %dma_start3A_590 = arith.constant 200 : i32
      %dma_start3A_591 = arith.constant 0 : i32
      %dma_start3A_592 = tpu.memref_slice %arg6[%dma_start3A_589, %dma_start3A_590, %dma_start3A_591] : memref<4x400x64xf32, #tpu.memory_space<vmem>> -> memref<1x50x64xf32, #tpu.memory_space<vmem>>
      %dma_start3A_593 = tpu.memref_squeeze %dma_start3A_592 : memref<1x50x64xf32, #tpu.memory_space<vmem>> -> memref<50x64xf32, #tpu.memory_space<vmem>>
      %dma_start3A_594 = arith.constant 0 : i32
      %dma_start3A_595 = arith.constant 0 : i32
      %dma_start3A_596 = tpu.memref_slice %arg4[%add3A_588, %dma_start3A_594, %dma_start3A_595] : memref<4096x50x64xf32, #tpu.memory_space<hbm>> -> memref<1x50x64xf32, #tpu.memory_space<hbm>>
      %dma_start3A_597 = tpu.memref_squeeze %dma_start3A_596 : memref<1x50x64xf32, #tpu.memory_space<hbm>> -> memref<50x64xf32, #tpu.memory_space<hbm>>
      %dma_start3A_598 = arith.constant 0 : i32
      %dma_start3A_599 = arith.constant 0 : i32
      %dma_start3A_600 = tpu.memref_slice %arg4[%add3A_588, %dma_start3A_598, %dma_start3A_599] : memref<4096x50x64xf32, #tpu.memory_space<hbm>> -> memref<1x50x64xf32, #tpu.memory_space<hbm>>
      %dma_start3A_601 = tpu.memref_squeeze %dma_start3A_600 : memref<1x50x64xf32, #tpu.memory_space<hbm>> -> memref<50x64xf32, #tpu.memory_space<hbm>>
      %dma_start3A_602 = arith.constant 200 : i32
      %dma_start3A_603 = arith.constant 0 : i32
      %dma_start3A_604 = tpu.memref_slice %arg6[%dma_start3A_589, %dma_start3A_602, %dma_start3A_603] : memref<4x400x64xf32, #tpu.memory_space<vmem>> -> memref<1x50x64xf32, #tpu.memory_space<vmem>>
      %dma_start3A_605 = tpu.memref_squeeze %dma_start3A_604 : memref<1x50x64xf32, #tpu.memory_space<vmem>> -> memref<50x64xf32, #tpu.memory_space<vmem>>
      tpu.enqueue_dma source(%dma_start3A_605 : memref<50x64xf32, #tpu.memory_space<vmem>>) target(%dma_start3A_601 : memref<50x64xf32, #tpu.memory_space<hbm>>) target_semaphore(%arg13 : memref<!tpu.dma_semaphore, #tpu.memory_space<semaphore_mem>>)
      %mul3A_606 = arith.constant 8 : i32
      %mul3A_607 = arith.muli %add3A_484, %mul3A_606 : i32
      %add3A_608 = arith.addi %mul3A_2, %mul3A_607 : i32
      %add3A_609 = arith.constant 5 : i32
      %add3A_610 = arith.addi %add3A_608, %add3A_609 : i32
      %dma_start3A_611 = arith.constant 2 : i32
      %dma_start3A_612 = arith.constant 250 : i32
      %dma_start3A_613 = arith.constant 0 : i32
      %dma_start3A_614 = tpu.memref_slice %arg6[%dma_start3A_611, %dma_start3A_612, %dma_start3A_613] : memref<4x400x64xf32, #tpu.memory_space<vmem>> -> memref<1x50x64xf32, #tpu.memory_space<vmem>>
      %dma_start3A_615 = tpu.memref_squeeze %dma_start3A_614 : memref<1x50x64xf32, #tpu.memory_space<vmem>> -> memref<50x64xf32, #tpu.memory_space<vmem>>
      %dma_start3A_616 = arith.constant 0 : i32
      %dma_start3A_617 = arith.constant 0 : i32
      %dma_start3A_618 = tpu.memref_slice %arg4[%add3A_610, %dma_start3A_616, %dma_start3A_617] : memref<4096x50x64xf32, #tpu.memory_space<hbm>> -> memref<1x50x64xf32, #tpu.memory_space<hbm>>
      %dma_start3A_619 = tpu.memref_squeeze %dma_start3A_618 : memref<1x50x64xf32, #tpu.memory_space<hbm>> -> memref<50x64xf32, #tpu.memory_space<hbm>>
      %dma_start3A_620 = arith.constant 0 : i32
      %dma_start3A_621 = arith.constant 0 : i32
      %dma_start3A_622 = tpu.memref_slice %arg4[%add3A_610, %dma_start3A_620, %dma_start3A_621] : memref<4096x50x64xf32, #tpu.memory_space<hbm>> -> memref<1x50x64xf32, #tpu.memory_space<hbm>>
      %dma_start3A_623 = tpu.memref_squeeze %dma_start3A_622 : memref<1x50x64xf32, #tpu.memory_space<hbm>> -> memref<50x64xf32, #tpu.memory_space<hbm>>
      %dma_start3A_624 = arith.constant 250 : i32
      %dma_start3A_625 = arith.constant 0 : i32
      %dma_start3A_626 = tpu.memref_slice %arg6[%dma_start3A_611, %dma_start3A_624, %dma_start3A_625] : memref<4x400x64xf32, #tpu.memory_space<vmem>> -> memref<1x50x64xf32, #tpu.memory_space<vmem>>
      %dma_start3A_627 = tpu.memref_squeeze %dma_start3A_626 : memref<1x50x64xf32, #tpu.memory_space<vmem>> -> memref<50x64xf32, #tpu.memory_space<vmem>>
      tpu.enqueue_dma source(%dma_start3A_627 : memref<50x64xf32, #tpu.memory_space<vmem>>) target(%dma_start3A_623 : memref<50x64xf32, #tpu.memory_space<hbm>>) target_semaphore(%arg13 : memref<!tpu.dma_semaphore, #tpu.memory_space<semaphore_mem>>)
      %mul3A_628 = arith.constant 8 : i32
      %mul3A_629 = arith.muli %add3A_484, %mul3A_628 : i32
      %add3A_630 = arith.addi %mul3A_2, %mul3A_629 : i32
      %add3A_631 = arith.constant 6 : i32
      %add3A_632 = arith.addi %add3A_630, %add3A_631 : i32
      %dma_start3A_633 = arith.constant 2 : i32
      %dma_start3A_634 = arith.constant 300 : i32
      %dma_start3A_635 = arith.constant 0 : i32
      %dma_start3A_636 = tpu.memref_slice %arg6[%dma_start3A_633, %dma_start3A_634, %dma_start3A_635] : memref<4x400x64xf32, #tpu.memory_space<vmem>> -> memref<1x50x64xf32, #tpu.memory_space<vmem>>
      %dma_start3A_637 = tpu.memref_squeeze %dma_start3A_636 : memref<1x50x64xf32, #tpu.memory_space<vmem>> -> memref<50x64xf32, #tpu.memory_space<vmem>>
      %dma_start3A_638 = arith.constant 0 : i32
      %dma_start3A_639 = arith.constant 0 : i32
      %dma_start3A_640 = tpu.memref_slice %arg4[%add3A_632, %dma_start3A_638, %dma_start3A_639] : memref<4096x50x64xf32, #tpu.memory_space<hbm>> -> memref<1x50x64xf32, #tpu.memory_space<hbm>>
      %dma_start3A_641 = tpu.memref_squeeze %dma_start3A_640 : memref<1x50x64xf32, #tpu.memory_space<hbm>> -> memref<50x64xf32, #tpu.memory_space<hbm>>
      %dma_start3A_642 = arith.constant 0 : i32
      %dma_start3A_643 = arith.constant 0 : i32
      %dma_start3A_644 = tpu.memref_slice %arg4[%add3A_632, %dma_start3A_642, %dma_start3A_643] : memref<4096x50x64xf32, #tpu.memory_space<hbm>> -> memref<1x50x64xf32, #tpu.memory_space<hbm>>
      %dma_start3A_645 = tpu.memref_squeeze %dma_start3A_644 : memref<1x50x64xf32, #tpu.memory_space<hbm>> -> memref<50x64xf32, #tpu.memory_space<hbm>>
      %dma_start3A_646 = arith.constant 300 : i32
      %dma_start3A_647 = arith.constant 0 : i32
      %dma_start3A_648 = tpu.memref_slice %arg6[%dma_start3A_633, %dma_start3A_646, %dma_start3A_647] : memref<4x400x64xf32, #tpu.memory_space<vmem>> -> memref<1x50x64xf32, #tpu.memory_space<vmem>>
      %dma_start3A_649 = tpu.memref_squeeze %dma_start3A_648 : memref<1x50x64xf32, #tpu.memory_space<vmem>> -> memref<50x64xf32, #tpu.memory_space<vmem>>
      tpu.enqueue_dma source(%dma_start3A_649 : memref<50x64xf32, #tpu.memory_space<vmem>>) target(%dma_start3A_645 : memref<50x64xf32, #tpu.memory_space<hbm>>) target_semaphore(%arg13 : memref<!tpu.dma_semaphore, #tpu.memory_space<semaphore_mem>>)
      %mul3A_650 = arith.constant 8 : i32
      %mul3A_651 = arith.muli %add3A_484, %mul3A_650 : i32
      %add3A_652 = arith.addi %mul3A_2, %mul3A_651 : i32
      %add3A_653 = arith.constant 7 : i32
      %add3A_654 = arith.addi %add3A_652, %add3A_653 : i32
      %dma_start3A_655 = arith.constant 2 : i32
      %dma_start3A_656 = arith.constant 350 : i32
      %dma_start3A_657 = arith.constant 0 : i32
      %dma_start3A_658 = tpu.memref_slice %arg6[%dma_start3A_655, %dma_start3A_656, %dma_start3A_657] : memref<4x400x64xf32, #tpu.memory_space<vmem>> -> memref<1x50x64xf32, #tpu.memory_space<vmem>>
      %dma_start3A_659 = tpu.memref_squeeze %dma_start3A_658 : memref<1x50x64xf32, #tpu.memory_space<vmem>> -> memref<50x64xf32, #tpu.memory_space<vmem>>
      %dma_start3A_660 = arith.constant 0 : i32
      %dma_start3A_661 = arith.constant 0 : i32
      %dma_start3A_662 = tpu.memref_slice %arg4[%add3A_654, %dma_start3A_660, %dma_start3A_661] : memref<4096x50x64xf32, #tpu.memory_space<hbm>> -> memref<1x50x64xf32, #tpu.memory_space<hbm>>
      %dma_start3A_663 = tpu.memref_squeeze %dma_start3A_662 : memref<1x50x64xf32, #tpu.memory_space<hbm>> -> memref<50x64xf32, #tpu.memory_space<hbm>>
      %dma_start3A_664 = arith.constant 0 : i32
      %dma_start3A_665 = arith.constant 0 : i32
      %dma_start3A_666 = tpu.memref_slice %arg4[%add3A_654, %dma_start3A_664, %dma_start3A_665] : memref<4096x50x64xf32, #tpu.memory_space<hbm>> -> memref<1x50x64xf32, #tpu.memory_space<hbm>>
      %dma_start3A_667 = tpu.memref_squeeze %dma_start3A_666 : memref<1x50x64xf32, #tpu.memory_space<hbm>> -> memref<50x64xf32, #tpu.memory_space<hbm>>
      %dma_start3A_668 = arith.constant 350 : i32
      %dma_start3A_669 = arith.constant 0 : i32
      %dma_start3A_670 = tpu.memref_slice %arg6[%dma_start3A_655, %dma_start3A_668, %dma_start3A_669] : memref<4x400x64xf32, #tpu.memory_space<vmem>> -> memref<1x50x64xf32, #tpu.memory_space<vmem>>
      %dma_start3A_671 = tpu.memref_squeeze %dma_start3A_670 : memref<1x50x64xf32, #tpu.memory_space<vmem>> -> memref<50x64xf32, #tpu.memory_space<vmem>>
      tpu.enqueue_dma source(%dma_start3A_671 : memref<50x64xf32, #tpu.memory_space<vmem>>) target(%dma_start3A_667 : memref<50x64xf32, #tpu.memory_space<hbm>>) target_semaphore(%arg13 : memref<!tpu.dma_semaphore, #tpu.memory_space<semaphore_mem>>)
      %add3A_672 = arith.constant 2 : i32
      %add3A_673 = arith.addi %add3A_484, %add3A_672 : i32
      %lt3A_674 = arith.constant 16 : i32
      %lt3A_675 = arith.cmpi slt, %add3A_673, %lt3A_674 : i32
      %convert_element_type3A_676 = arith.extui %lt3A_675 : i1 to i32
      %cond3A_677 = arith.constant 0 : i32
      %cond3A_678 = arith.cmpi ne, %convert_element_type3A_676, %cond3A_677 : i32
      scf.if %cond3A_678 {
        %ge3A = arith.constant 2 : i32
        %ge3A_875 = arith.cmpi sge, %add3A_484, %ge3A : i32
        %convert_element_type3A_876 = arith.extui %ge3A_875 : i1 to i32
        %cond3A_877 = arith.constant 0 : i32
        %cond3A_878 = arith.cmpi ne, %convert_element_type3A_876, %cond3A_877 : i32
        scf.if %cond3A_878 {
          %dma_wait3A_890 = arith.constant 0 : i32
          %dma_wait3A_891 = arith.constant 0 : i32
          %dma_wait3A_892 = arith.constant 0 : i32
          %dma_wait3A_893 = tpu.memref_slice %arg6[%dma_wait3A_890, %dma_wait3A_891, %dma_wait3A_892] : memref<4x400x64xf32, #tpu.memory_space<vmem>> -> memref<1x400x64xf32, #tpu.memory_space<vmem>>
          %dma_wait3A_894 = tpu.memref_squeeze %dma_wait3A_893 : memref<1x400x64xf32, #tpu.memory_space<vmem>> -> memref<400x64xf32, #tpu.memory_space<vmem>>
          %dma_wait3A_895 = arith.constant 0 : i32
          %dma_wait3A_896 = arith.constant 0 : i32
          %dma_wait3A_897 = tpu.memref_slice %arg3[%dma_wait3A_895, %dma_wait3A_896] : memref<100000x64xf32, #tpu.memory_space<hbm>> -> memref<400x64xf32, #tpu.memory_space<hbm>>
          %dma_wait3A_898 = arith.constant 0 : i32
          %dma_wait3A_899 = arith.constant 0 : i32
          %dma_wait3A_900 = tpu.memref_slice %arg6[%dma_wait3A_890, %dma_wait3A_898, %dma_wait3A_899] : memref<4x400x64xf32, #tpu.memory_space<vmem>> -> memref<1x400x64xf32, #tpu.memory_space<vmem>>
          %dma_wait3A_901 = tpu.memref_squeeze %dma_wait3A_900 : memref<1x400x64xf32, #tpu.memory_space<vmem>> -> memref<400x64xf32, #tpu.memory_space<vmem>>
          %dma_wait3A_902 = arith.constant 0 : i32
          %dma_wait3A_903 = arith.constant 0 : i32
          %dma_wait3A_904 = tpu.memref_slice %arg3[%dma_wait3A_902, %dma_wait3A_903] : memref<100000x64xf32, #tpu.memory_space<hbm>> -> memref<400x64xf32, #tpu.memory_space<hbm>>
          tpu.wait_dma2 semaphore(%arg11 : memref<!tpu.dma_semaphore, #tpu.memory_space<semaphore_mem>>) src(%dma_wait3A_904 : memref<400x64xf32, #tpu.memory_space<hbm>>) dst(%dma_wait3A_901 : memref<400x64xf32, #tpu.memory_space<vmem>>)
        } else {
        }
        %dma_start3A_879 = arith.constant 0 : i32
        %dma_start3A_880 = arith.constant 0 : i32
        %dma_start3A_881 = arith.constant 0 : i32
        %dma_start3A_882 = tpu.memref_slice %arg6[%dma_start3A_879, %dma_start3A_880, %dma_start3A_881] : memref<4x400x64xf32, #tpu.memory_space<vmem>> -> memref<1x400x64xf32, #tpu.memory_space<vmem>>
        %dma_start3A_883 = tpu.memref_squeeze %dma_start3A_882 : memref<1x400x64xf32, #tpu.memory_space<vmem>> -> memref<400x64xf32, #tpu.memory_space<vmem>>
        %dma_start3A_884 = arith.constant 0 : i32
        %dma_start3A_885 = tpu.memref_slice %arg5[%add3A_673, %dma_start3A_884] : memref<16x400xi32, #tpu.memory_space<vmem>> -> memref<1x400xi32, #tpu.memory_space<vmem>>
        %dma_start3A_886 = tpu.memref_squeeze %dma_start3A_885 : memref<1x400xi32, #tpu.memory_space<vmem>> -> memref<400xi32, #tpu.memory_space<vmem>>
        %dma_start3A_887 = arith.constant 0 : i32
        %dma_start3A_888 = arith.constant 0 : i32
        %dma_start3A_889 = tpu.memref_slice %arg3[%dma_start3A_887, %dma_start3A_888] : memref<100000x64xf32, #tpu.memory_space<hbm>> -> memref<100000x64xf32, #tpu.memory_space<hbm>>
        tpu.enqueue_indirect_dma source(%dma_start3A_889 : memref<100000x64xf32, #tpu.memory_space<hbm>>) target(%dma_start3A_883 : memref<400x64xf32, #tpu.memory_space<vmem>>) offsets(%dma_start3A_886 : memref<400xi32, #tpu.memory_space<vmem>>) semaphore(%arg7 : memref<!tpu.dma_semaphore, #tpu.memory_space<semaphore_mem>>)
      } else {
      }
      %add3A_679 = arith.constant 3 : i32
      %add3A_680 = arith.addi %add3A_93, %add3A_679 : i32
      %dma_wait3A_681 = arith.constant 3 : i32
      %dma_wait3A_682 = arith.constant 0 : i32
      %dma_wait3A_683 = arith.constant 0 : i32
      %dma_wait3A_684 = tpu.memref_slice %arg6[%dma_wait3A_681, %dma_wait3A_682, %dma_wait3A_683] : memref<4x400x64xf32, #tpu.memory_space<vmem>> -> memref<1x400x64xf32, #tpu.memory_space<vmem>>
      %dma_wait3A_685 = tpu.memref_squeeze %dma_wait3A_684 : memref<1x400x64xf32, #tpu.memory_space<vmem>> -> memref<400x64xf32, #tpu.memory_space<vmem>>
      %dma_wait3A_686 = arith.constant 0 : i32
      %dma_wait3A_687 = tpu.memref_slice %arg5[%add3A_680, %dma_wait3A_686] : memref<16x400xi32, #tpu.memory_space<vmem>> -> memref<1x400xi32, #tpu.memory_space<vmem>>
      %dma_wait3A_688 = tpu.memref_squeeze %dma_wait3A_687 : memref<1x400xi32, #tpu.memory_space<vmem>> -> memref<400xi32, #tpu.memory_space<vmem>>
      %dma_wait3A_689 = arith.constant 0 : i32
      %dma_wait3A_690 = arith.constant 0 : i32
      %dma_wait3A_691 = tpu.memref_slice %arg3[%dma_wait3A_689, %dma_wait3A_690] : memref<100000x64xf32, #tpu.memory_space<hbm>> -> memref<100000x64xf32, #tpu.memory_space<hbm>>
      tpu.wait_indirect_dma semaphore(%arg10 : memref<!tpu.dma_semaphore, #tpu.memory_space<semaphore_mem>>) src(%dma_wait3A_691 : memref<100000x64xf32, #tpu.memory_space<hbm>>) dst(%dma_wait3A_685 : memref<400x64xf32, #tpu.memory_space<vmem>>)
      %mul3A_692 = arith.constant 8 : i32
      %mul3A_693 = arith.muli %add3A_680, %mul3A_692 : i32
      %add3A_694 = arith.addi %mul3A_2, %mul3A_693 : i32
      %add3A_695 = arith.constant 0 : i32
      %add3A_696 = arith.addi %add3A_694, %add3A_695 : i32
      %dma_start3A_697 = arith.constant 3 : i32
      %dma_start3A_698 = arith.constant 0 : i32
      %dma_start3A_699 = arith.constant 0 : i32
      %dma_start3A_700 = tpu.memref_slice %arg6[%dma_start3A_697, %dma_start3A_698, %dma_start3A_699] : memref<4x400x64xf32, #tpu.memory_space<vmem>> -> memref<1x50x64xf32, #tpu.memory_space<vmem>>
      %dma_start3A_701 = tpu.memref_squeeze %dma_start3A_700 : memref<1x50x64xf32, #tpu.memory_space<vmem>> -> memref<50x64xf32, #tpu.memory_space<vmem>>
      %dma_start3A_702 = arith.constant 0 : i32
      %dma_start3A_703 = arith.constant 0 : i32
      %dma_start3A_704 = tpu.memref_slice %arg4[%add3A_696, %dma_start3A_702, %dma_start3A_703] : memref<4096x50x64xf32, #tpu.memory_space<hbm>> -> memref<1x50x64xf32, #tpu.memory_space<hbm>>
      %dma_start3A_705 = tpu.memref_squeeze %dma_start3A_704 : memref<1x50x64xf32, #tpu.memory_space<hbm>> -> memref<50x64xf32, #tpu.memory_space<hbm>>
      %dma_start3A_706 = arith.constant 0 : i32
      %dma_start3A_707 = arith.constant 0 : i32
      %dma_start3A_708 = tpu.memref_slice %arg4[%add3A_696, %dma_start3A_706, %dma_start3A_707] : memref<4096x50x64xf32, #tpu.memory_space<hbm>> -> memref<1x50x64xf32, #tpu.memory_space<hbm>>
      %dma_start3A_709 = tpu.memref_squeeze %dma_start3A_708 : memref<1x50x64xf32, #tpu.memory_space<hbm>> -> memref<50x64xf32, #tpu.memory_space<hbm>>
      %dma_start3A_710 = arith.constant 0 : i32
      %dma_start3A_711 = arith.constant 0 : i32
      %dma_start3A_712 = tpu.memref_slice %arg6[%dma_start3A_697, %dma_start3A_710, %dma_start3A_711] : memref<4x400x64xf32, #tpu.memory_space<vmem>> -> memref<1x50x64xf32, #tpu.memory_space<vmem>>
      %dma_start3A_713 = tpu.memref_squeeze %dma_start3A_712 : memref<1x50x64xf32, #tpu.memory_space<vmem>> -> memref<50x64xf32, #tpu.memory_space<vmem>>
      tpu.enqueue_dma source(%dma_start3A_713 : memref<50x64xf32, #tpu.memory_space<vmem>>) target(%dma_start3A_709 : memref<50x64xf32, #tpu.memory_space<hbm>>) target_semaphore(%arg14 : memref<!tpu.dma_semaphore, #tpu.memory_space<semaphore_mem>>)
      %mul3A_714 = arith.constant 8 : i32
      %mul3A_715 = arith.muli %add3A_680, %mul3A_714 : i32
      %add3A_716 = arith.addi %mul3A_2, %mul3A_715 : i32
      %add3A_717 = arith.constant 1 : i32
      %add3A_718 = arith.addi %add3A_716, %add3A_717 : i32
      %dma_start3A_719 = arith.constant 3 : i32
      %dma_start3A_720 = arith.constant 50 : i32
      %dma_start3A_721 = arith.constant 0 : i32
      %dma_start3A_722 = tpu.memref_slice %arg6[%dma_start3A_719, %dma_start3A_720, %dma_start3A_721] : memref<4x400x64xf32, #tpu.memory_space<vmem>> -> memref<1x50x64xf32, #tpu.memory_space<vmem>>
      %dma_start3A_723 = tpu.memref_squeeze %dma_start3A_722 : memref<1x50x64xf32, #tpu.memory_space<vmem>> -> memref<50x64xf32, #tpu.memory_space<vmem>>
      %dma_start3A_724 = arith.constant 0 : i32
      %dma_start3A_725 = arith.constant 0 : i32
      %dma_start3A_726 = tpu.memref_slice %arg4[%add3A_718, %dma_start3A_724, %dma_start3A_725] : memref<4096x50x64xf32, #tpu.memory_space<hbm>> -> memref<1x50x64xf32, #tpu.memory_space<hbm>>
      %dma_start3A_727 = tpu.memref_squeeze %dma_start3A_726 : memref<1x50x64xf32, #tpu.memory_space<hbm>> -> memref<50x64xf32, #tpu.memory_space<hbm>>
      %dma_start3A_728 = arith.constant 0 : i32
      %dma_start3A_729 = arith.constant 0 : i32
      %dma_start3A_730 = tpu.memref_slice %arg4[%add3A_718, %dma_start3A_728, %dma_start3A_729] : memref<4096x50x64xf32, #tpu.memory_space<hbm>> -> memref<1x50x64xf32, #tpu.memory_space<hbm>>
      %dma_start3A_731 = tpu.memref_squeeze %dma_start3A_730 : memref<1x50x64xf32, #tpu.memory_space<hbm>> -> memref<50x64xf32, #tpu.memory_space<hbm>>
      %dma_start3A_732 = arith.constant 50 : i32
      %dma_start3A_733 = arith.constant 0 : i32
      %dma_start3A_734 = tpu.memref_slice %arg6[%dma_start3A_719, %dma_start3A_732, %dma_start3A_733] : memref<4x400x64xf32, #tpu.memory_space<vmem>> -> memref<1x50x64xf32, #tpu.memory_space<vmem>>
      %dma_start3A_735 = tpu.memref_squeeze %dma_start3A_734 : memref<1x50x64xf32, #tpu.memory_space<vmem>> -> memref<50x64xf32, #tpu.memory_space<vmem>>
      tpu.enqueue_dma source(%dma_start3A_735 : memref<50x64xf32, #tpu.memory_space<vmem>>) target(%dma_start3A_731 : memref<50x64xf32, #tpu.memory_space<hbm>>) target_semaphore(%arg14 : memref<!tpu.dma_semaphore, #tpu.memory_space<semaphore_mem>>)
      %mul3A_736 = arith.constant 8 : i32
      %mul3A_737 = arith.muli %add3A_680, %mul3A_736 : i32
      %add3A_738 = arith.addi %mul3A_2, %mul3A_737 : i32
      %add3A_739 = arith.constant 2 : i32
      %add3A_740 = arith.addi %add3A_738, %add3A_739 : i32
      %dma_start3A_741 = arith.constant 3 : i32
      %dma_start3A_742 = arith.constant 100 : i32
      %dma_start3A_743 = arith.constant 0 : i32
      %dma_start3A_744 = tpu.memref_slice %arg6[%dma_start3A_741, %dma_start3A_742, %dma_start3A_743] : memref<4x400x64xf32, #tpu.memory_space<vmem>> -> memref<1x50x64xf32, #tpu.memory_space<vmem>>
      %dma_start3A_745 = tpu.memref_squeeze %dma_start3A_744 : memref<1x50x64xf32, #tpu.memory_space<vmem>> -> memref<50x64xf32, #tpu.memory_space<vmem>>
      %dma_start3A_746 = arith.constant 0 : i32
      %dma_start3A_747 = arith.constant 0 : i32
      %dma_start3A_748 = tpu.memref_slice %arg4[%add3A_740, %dma_start3A_746, %dma_start3A_747] : memref<4096x50x64xf32, #tpu.memory_space<hbm>> -> memref<1x50x64xf32, #tpu.memory_space<hbm>>
      %dma_start3A_749 = tpu.memref_squeeze %dma_start3A_748 : memref<1x50x64xf32, #tpu.memory_space<hbm>> -> memref<50x64xf32, #tpu.memory_space<hbm>>
      %dma_start3A_750 = arith.constant 0 : i32
      %dma_start3A_751 = arith.constant 0 : i32
      %dma_start3A_752 = tpu.memref_slice %arg4[%add3A_740, %dma_start3A_750, %dma_start3A_751] : memref<4096x50x64xf32, #tpu.memory_space<hbm>> -> memref<1x50x64xf32, #tpu.memory_space<hbm>>
      %dma_start3A_753 = tpu.memref_squeeze %dma_start3A_752 : memref<1x50x64xf32, #tpu.memory_space<hbm>> -> memref<50x64xf32, #tpu.memory_space<hbm>>
      %dma_start3A_754 = arith.constant 100 : i32
      %dma_start3A_755 = arith.constant 0 : i32
      %dma_start3A_756 = tpu.memref_slice %arg6[%dma_start3A_741, %dma_start3A_754, %dma_start3A_755] : memref<4x400x64xf32, #tpu.memory_space<vmem>> -> memref<1x50x64xf32, #tpu.memory_space<vmem>>
      %dma_start3A_757 = tpu.memref_squeeze %dma_start3A_756 : memref<1x50x64xf32, #tpu.memory_space<vmem>> -> memref<50x64xf32, #tpu.memory_space<vmem>>
      tpu.enqueue_dma source(%dma_start3A_757 : memref<50x64xf32, #tpu.memory_space<vmem>>) target(%dma_start3A_753 : memref<50x64xf32, #tpu.memory_space<hbm>>) target_semaphore(%arg14 : memref<!tpu.dma_semaphore, #tpu.memory_space<semaphore_mem>>)
      %mul3A_758 = arith.constant 8 : i32
      %mul3A_759 = arith.muli %add3A_680, %mul3A_758 : i32
      %add3A_760 = arith.addi %mul3A_2, %mul3A_759 : i32
      %add3A_761 = arith.constant 3 : i32
      %add3A_762 = arith.addi %add3A_760, %add3A_761 : i32
      %dma_start3A_763 = arith.constant 3 : i32
      %dma_start3A_764 = arith.constant 150 : i32
      %dma_start3A_765 = arith.constant 0 : i32
      %dma_start3A_766 = tpu.memref_slice %arg6[%dma_start3A_763, %dma_start3A_764, %dma_start3A_765] : memref<4x400x64xf32, #tpu.memory_space<vmem>> -> memref<1x50x64xf32, #tpu.memory_space<vmem>>
      %dma_start3A_767 = tpu.memref_squeeze %dma_start3A_766 : memref<1x50x64xf32, #tpu.memory_space<vmem>> -> memref<50x64xf32, #tpu.memory_space<vmem>>
      %dma_start3A_768 = arith.constant 0 : i32
      %dma_start3A_769 = arith.constant 0 : i32
      %dma_start3A_770 = tpu.memref_slice %arg4[%add3A_762, %dma_start3A_768, %dma_start3A_769] : memref<4096x50x64xf32, #tpu.memory_space<hbm>> -> memref<1x50x64xf32, #tpu.memory_space<hbm>>
      %dma_start3A_771 = tpu.memref_squeeze %dma_start3A_770 : memref<1x50x64xf32, #tpu.memory_space<hbm>> -> memref<50x64xf32, #tpu.memory_space<hbm>>
      %dma_start3A_772 = arith.constant 0 : i32
      %dma_start3A_773 = arith.constant 0 : i32
      %dma_start3A_774 = tpu.memref_slice %arg4[%add3A_762, %dma_start3A_772, %dma_start3A_773] : memref<4096x50x64xf32, #tpu.memory_space<hbm>> -> memref<1x50x64xf32, #tpu.memory_space<hbm>>
      %dma_start3A_775 = tpu.memref_squeeze %dma_start3A_774 : memref<1x50x64xf32, #tpu.memory_space<hbm>> -> memref<50x64xf32, #tpu.memory_space<hbm>>
      %dma_start3A_776 = arith.constant 150 : i32
      %dma_start3A_777 = arith.constant 0 : i32
      %dma_start3A_778 = tpu.memref_slice %arg6[%dma_start3A_763, %dma_start3A_776, %dma_start3A_777] : memref<4x400x64xf32, #tpu.memory_space<vmem>> -> memref<1x50x64xf32, #tpu.memory_space<vmem>>
      %dma_start3A_779 = tpu.memref_squeeze %dma_start3A_778 : memref<1x50x64xf32, #tpu.memory_space<vmem>> -> memref<50x64xf32, #tpu.memory_space<vmem>>
      tpu.enqueue_dma source(%dma_start3A_779 : memref<50x64xf32, #tpu.memory_space<vmem>>) target(%dma_start3A_775 : memref<50x64xf32, #tpu.memory_space<hbm>>) target_semaphore(%arg14 : memref<!tpu.dma_semaphore, #tpu.memory_space<semaphore_mem>>)
      %mul3A_780 = arith.constant 8 : i32
      %mul3A_781 = arith.muli %add3A_680, %mul3A_780 : i32
      %add3A_782 = arith.addi %mul3A_2, %mul3A_781 : i32
      %add3A_783 = arith.constant 4 : i32
      %add3A_784 = arith.addi %add3A_782, %add3A_783 : i32
      %dma_start3A_785 = arith.constant 3 : i32
      %dma_start3A_786 = arith.constant 200 : i32
      %dma_start3A_787 = arith.constant 0 : i32
      %dma_start3A_788 = tpu.memref_slice %arg6[%dma_start3A_785, %dma_start3A_786, %dma_start3A_787] : memref<4x400x64xf32, #tpu.memory_space<vmem>> -> memref<1x50x64xf32, #tpu.memory_space<vmem>>
      %dma_start3A_789 = tpu.memref_squeeze %dma_start3A_788 : memref<1x50x64xf32, #tpu.memory_space<vmem>> -> memref<50x64xf32, #tpu.memory_space<vmem>>
      %dma_start3A_790 = arith.constant 0 : i32
      %dma_start3A_791 = arith.constant 0 : i32
      %dma_start3A_792 = tpu.memref_slice %arg4[%add3A_784, %dma_start3A_790, %dma_start3A_791] : memref<4096x50x64xf32, #tpu.memory_space<hbm>> -> memref<1x50x64xf32, #tpu.memory_space<hbm>>
      %dma_start3A_793 = tpu.memref_squeeze %dma_start3A_792 : memref<1x50x64xf32, #tpu.memory_space<hbm>> -> memref<50x64xf32, #tpu.memory_space<hbm>>
      %dma_start3A_794 = arith.constant 0 : i32
      %dma_start3A_795 = arith.constant 0 : i32
      %dma_start3A_796 = tpu.memref_slice %arg4[%add3A_784, %dma_start3A_794, %dma_start3A_795] : memref<4096x50x64xf32, #tpu.memory_space<hbm>> -> memref<1x50x64xf32, #tpu.memory_space<hbm>>
      %dma_start3A_797 = tpu.memref_squeeze %dma_start3A_796 : memref<1x50x64xf32, #tpu.memory_space<hbm>> -> memref<50x64xf32, #tpu.memory_space<hbm>>
      %dma_start3A_798 = arith.constant 200 : i32
      %dma_start3A_799 = arith.constant 0 : i32
      %dma_start3A_800 = tpu.memref_slice %arg6[%dma_start3A_785, %dma_start3A_798, %dma_start3A_799] : memref<4x400x64xf32, #tpu.memory_space<vmem>> -> memref<1x50x64xf32, #tpu.memory_space<vmem>>
      %dma_start3A_801 = tpu.memref_squeeze %dma_start3A_800 : memref<1x50x64xf32, #tpu.memory_space<vmem>> -> memref<50x64xf32, #tpu.memory_space<vmem>>
      tpu.enqueue_dma source(%dma_start3A_801 : memref<50x64xf32, #tpu.memory_space<vmem>>) target(%dma_start3A_797 : memref<50x64xf32, #tpu.memory_space<hbm>>) target_semaphore(%arg14 : memref<!tpu.dma_semaphore, #tpu.memory_space<semaphore_mem>>)
      %mul3A_802 = arith.constant 8 : i32
      %mul3A_803 = arith.muli %add3A_680, %mul3A_802 : i32
      %add3A_804 = arith.addi %mul3A_2, %mul3A_803 : i32
      %add3A_805 = arith.constant 5 : i32
      %add3A_806 = arith.addi %add3A_804, %add3A_805 : i32
      %dma_start3A_807 = arith.constant 3 : i32
      %dma_start3A_808 = arith.constant 250 : i32
      %dma_start3A_809 = arith.constant 0 : i32
      %dma_start3A_810 = tpu.memref_slice %arg6[%dma_start3A_807, %dma_start3A_808, %dma_start3A_809] : memref<4x400x64xf32, #tpu.memory_space<vmem>> -> memref<1x50x64xf32, #tpu.memory_space<vmem>>
      %dma_start3A_811 = tpu.memref_squeeze %dma_start3A_810 : memref<1x50x64xf32, #tpu.memory_space<vmem>> -> memref<50x64xf32, #tpu.memory_space<vmem>>
      %dma_start3A_812 = arith.constant 0 : i32
      %dma_start3A_813 = arith.constant 0 : i32
      %dma_start3A_814 = tpu.memref_slice %arg4[%add3A_806, %dma_start3A_812, %dma_start3A_813] : memref<4096x50x64xf32, #tpu.memory_space<hbm>> -> memref<1x50x64xf32, #tpu.memory_space<hbm>>
      %dma_start3A_815 = tpu.memref_squeeze %dma_start3A_814 : memref<1x50x64xf32, #tpu.memory_space<hbm>> -> memref<50x64xf32, #tpu.memory_space<hbm>>
      %dma_start3A_816 = arith.constant 0 : i32
      %dma_start3A_817 = arith.constant 0 : i32
      %dma_start3A_818 = tpu.memref_slice %arg4[%add3A_806, %dma_start3A_816, %dma_start3A_817] : memref<4096x50x64xf32, #tpu.memory_space<hbm>> -> memref<1x50x64xf32, #tpu.memory_space<hbm>>
      %dma_start3A_819 = tpu.memref_squeeze %dma_start3A_818 : memref<1x50x64xf32, #tpu.memory_space<hbm>> -> memref<50x64xf32, #tpu.memory_space<hbm>>
      %dma_start3A_820 = arith.constant 250 : i32
      %dma_start3A_821 = arith.constant 0 : i32
      %dma_start3A_822 = tpu.memref_slice %arg6[%dma_start3A_807, %dma_start3A_820, %dma_start3A_821] : memref<4x400x64xf32, #tpu.memory_space<vmem>> -> memref<1x50x64xf32, #tpu.memory_space<vmem>>
      %dma_start3A_823 = tpu.memref_squeeze %dma_start3A_822 : memref<1x50x64xf32, #tpu.memory_space<vmem>> -> memref<50x64xf32, #tpu.memory_space<vmem>>
      tpu.enqueue_dma source(%dma_start3A_823 : memref<50x64xf32, #tpu.memory_space<vmem>>) target(%dma_start3A_819 : memref<50x64xf32, #tpu.memory_space<hbm>>) target_semaphore(%arg14 : memref<!tpu.dma_semaphore, #tpu.memory_space<semaphore_mem>>)
      %mul3A_824 = arith.constant 8 : i32
      %mul3A_825 = arith.muli %add3A_680, %mul3A_824 : i32
      %add3A_826 = arith.addi %mul3A_2, %mul3A_825 : i32
      %add3A_827 = arith.constant 6 : i32
      %add3A_828 = arith.addi %add3A_826, %add3A_827 : i32
      %dma_start3A_829 = arith.constant 3 : i32
      %dma_start3A_830 = arith.constant 300 : i32
      %dma_start3A_831 = arith.constant 0 : i32
      %dma_start3A_832 = tpu.memref_slice %arg6[%dma_start3A_829, %dma_start3A_830, %dma_start3A_831] : memref<4x400x64xf32, #tpu.memory_space<vmem>> -> memref<1x50x64xf32, #tpu.memory_space<vmem>>
      %dma_start3A_833 = tpu.memref_squeeze %dma_start3A_832 : memref<1x50x64xf32, #tpu.memory_space<vmem>> -> memref<50x64xf32, #tpu.memory_space<vmem>>
      %dma_start3A_834 = arith.constant 0 : i32
      %dma_start3A_835 = arith.constant 0 : i32
      %dma_start3A_836 = tpu.memref_slice %arg4[%add3A_828, %dma_start3A_834, %dma_start3A_835] : memref<4096x50x64xf32, #tpu.memory_space<hbm>> -> memref<1x50x64xf32, #tpu.memory_space<hbm>>
      %dma_start3A_837 = tpu.memref_squeeze %dma_start3A_836 : memref<1x50x64xf32, #tpu.memory_space<hbm>> -> memref<50x64xf32, #tpu.memory_space<hbm>>
      %dma_start3A_838 = arith.constant 0 : i32
      %dma_start3A_839 = arith.constant 0 : i32
      %dma_start3A_840 = tpu.memref_slice %arg4[%add3A_828, %dma_start3A_838, %dma_start3A_839] : memref<4096x50x64xf32, #tpu.memory_space<hbm>> -> memref<1x50x64xf32, #tpu.memory_space<hbm>>
      %dma_start3A_841 = tpu.memref_squeeze %dma_start3A_840 : memref<1x50x64xf32, #tpu.memory_space<hbm>> -> memref<50x64xf32, #tpu.memory_space<hbm>>
      %dma_start3A_842 = arith.constant 300 : i32
      %dma_start3A_843 = arith.constant 0 : i32
      %dma_start3A_844 = tpu.memref_slice %arg6[%dma_start3A_829, %dma_start3A_842, %dma_start3A_843] : memref<4x400x64xf32, #tpu.memory_space<vmem>> -> memref<1x50x64xf32, #tpu.memory_space<vmem>>
      %dma_start3A_845 = tpu.memref_squeeze %dma_start3A_844 : memref<1x50x64xf32, #tpu.memory_space<vmem>> -> memref<50x64xf32, #tpu.memory_space<vmem>>
      tpu.enqueue_dma source(%dma_start3A_845 : memref<50x64xf32, #tpu.memory_space<vmem>>) target(%dma_start3A_841 : memref<50x64xf32, #tpu.memory_space<hbm>>) target_semaphore(%arg14 : memref<!tpu.dma_semaphore, #tpu.memory_space<semaphore_mem>>)
      %mul3A_846 = arith.constant 8 : i32
      %mul3A_847 = arith.muli %add3A_680, %mul3A_846 : i32
      %add3A_848 = arith.addi %mul3A_2, %mul3A_847 : i32
      %add3A_849 = arith.constant 7 : i32
      %add3A_850 = arith.addi %add3A_848, %add3A_849 : i32
      %dma_start3A_851 = arith.constant 3 : i32
      %dma_start3A_852 = arith.constant 350 : i32
      %dma_start3A_853 = arith.constant 0 : i32
      %dma_start3A_854 = tpu.memref_slice %arg6[%dma_start3A_851, %dma_start3A_852, %dma_start3A_853] : memref<4x400x64xf32, #tpu.memory_space<vmem>> -> memref<1x50x64xf32, #tpu.memory_space<vmem>>
      %dma_start3A_855 = tpu.memref_squeeze %dma_start3A_854 : memref<1x50x64xf32, #tpu.memory_space<vmem>> -> memref<50x64xf32, #tpu.memory_space<vmem>>
      %dma_start3A_856 = arith.constant 0 : i32
      %dma_start3A_857 = arith.constant 0 : i32
      %dma_start3A_858 = tpu.memref_slice %arg4[%add3A_850, %dma_start3A_856, %dma_start3A_857] : memref<4096x50x64xf32, #tpu.memory_space<hbm>> -> memref<1x50x64xf32, #tpu.memory_space<hbm>>
      %dma_start3A_859 = tpu.memref_squeeze %dma_start3A_858 : memref<1x50x64xf32, #tpu.memory_space<hbm>> -> memref<50x64xf32, #tpu.memory_space<hbm>>
      %dma_start3A_860 = arith.constant 0 : i32
      %dma_start3A_861 = arith.constant 0 : i32
      %dma_start3A_862 = tpu.memref_slice %arg4[%add3A_850, %dma_start3A_860, %dma_start3A_861] : memref<4096x50x64xf32, #tpu.memory_space<hbm>> -> memref<1x50x64xf32, #tpu.memory_space<hbm>>
      %dma_start3A_863 = tpu.memref_squeeze %dma_start3A_862 : memref<1x50x64xf32, #tpu.memory_space<hbm>> -> memref<50x64xf32, #tpu.memory_space<hbm>>
      %dma_start3A_864 = arith.constant 350 : i32
      %dma_start3A_865 = arith.constant 0 : i32
      %dma_start3A_866 = tpu.memref_slice %arg6[%dma_start3A_851, %dma_start3A_864, %dma_start3A_865] : memref<4x400x64xf32, #tpu.memory_space<vmem>> -> memref<1x50x64xf32, #tpu.memory_space<vmem>>
      %dma_start3A_867 = tpu.memref_squeeze %dma_start3A_866 : memref<1x50x64xf32, #tpu.memory_space<vmem>> -> memref<50x64xf32, #tpu.memory_space<vmem>>
      tpu.enqueue_dma source(%dma_start3A_867 : memref<50x64xf32, #tpu.memory_space<vmem>>) target(%dma_start3A_863 : memref<50x64xf32, #tpu.memory_space<hbm>>) target_semaphore(%arg14 : memref<!tpu.dma_semaphore, #tpu.memory_space<semaphore_mem>>)
      %add3A_868 = arith.constant 2 : i32
      %add3A_869 = arith.addi %add3A_680, %add3A_868 : i32
      %lt3A_870 = arith.constant 16 : i32
      %lt3A_871 = arith.cmpi slt, %add3A_869, %lt3A_870 : i32
      %convert_element_type3A_872 = arith.extui %lt3A_871 : i1 to i32
      %cond3A_873 = arith.constant 0 : i32
      %cond3A_874 = arith.cmpi ne, %convert_element_type3A_872, %cond3A_873 : i32
      scf.if %cond3A_874 {
        %ge3A = arith.constant 2 : i32
        %ge3A_875 = arith.cmpi sge, %add3A_680, %ge3A : i32
        %convert_element_type3A_876 = arith.extui %ge3A_875 : i1 to i32
        %cond3A_877 = arith.constant 0 : i32
        %cond3A_878 = arith.cmpi ne, %convert_element_type3A_876, %cond3A_877 : i32
        scf.if %cond3A_878 {
          %dma_wait3A_890 = arith.constant 1 : i32
          %dma_wait3A_891 = arith.constant 0 : i32
          %dma_wait3A_892 = arith.constant 0 : i32
          %dma_wait3A_893 = tpu.memref_slice %arg6[%dma_wait3A_890, %dma_wait3A_891, %dma_wait3A_892] : memref<4x400x64xf32, #tpu.memory_space<vmem>> -> memref<1x400x64xf32, #tpu.memory_space<vmem>>
          %dma_wait3A_894 = tpu.memref_squeeze %dma_wait3A_893 : memref<1x400x64xf32, #tpu.memory_space<vmem>> -> memref<400x64xf32, #tpu.memory_space<vmem>>
          %dma_wait3A_895 = arith.constant 0 : i32
          %dma_wait3A_896 = arith.constant 0 : i32
          %dma_wait3A_897 = tpu.memref_slice %arg3[%dma_wait3A_895, %dma_wait3A_896] : memref<100000x64xf32, #tpu.memory_space<hbm>> -> memref<400x64xf32, #tpu.memory_space<hbm>>
          %dma_wait3A_898 = arith.constant 0 : i32
          %dma_wait3A_899 = arith.constant 0 : i32
          %dma_wait3A_900 = tpu.memref_slice %arg6[%dma_wait3A_890, %dma_wait3A_898, %dma_wait3A_899] : memref<4x400x64xf32, #tpu.memory_space<vmem>> -> memref<1x400x64xf32, #tpu.memory_space<vmem>>
          %dma_wait3A_901 = tpu.memref_squeeze %dma_wait3A_900 : memref<1x400x64xf32, #tpu.memory_space<vmem>> -> memref<400x64xf32, #tpu.memory_space<vmem>>
          %dma_wait3A_902 = arith.constant 0 : i32
          %dma_wait3A_903 = arith.constant 0 : i32
          %dma_wait3A_904 = tpu.memref_slice %arg3[%dma_wait3A_902, %dma_wait3A_903] : memref<100000x64xf32, #tpu.memory_space<hbm>> -> memref<400x64xf32, #tpu.memory_space<hbm>>
          tpu.wait_dma2 semaphore(%arg12 : memref<!tpu.dma_semaphore, #tpu.memory_space<semaphore_mem>>) src(%dma_wait3A_904 : memref<400x64xf32, #tpu.memory_space<hbm>>) dst(%dma_wait3A_901 : memref<400x64xf32, #tpu.memory_space<vmem>>)
        } else {
        }
        %dma_start3A_879 = arith.constant 1 : i32
        %dma_start3A_880 = arith.constant 0 : i32
        %dma_start3A_881 = arith.constant 0 : i32
        %dma_start3A_882 = tpu.memref_slice %arg6[%dma_start3A_879, %dma_start3A_880, %dma_start3A_881] : memref<4x400x64xf32, #tpu.memory_space<vmem>> -> memref<1x400x64xf32, #tpu.memory_space<vmem>>
        %dma_start3A_883 = tpu.memref_squeeze %dma_start3A_882 : memref<1x400x64xf32, #tpu.memory_space<vmem>> -> memref<400x64xf32, #tpu.memory_space<vmem>>
        %dma_start3A_884 = arith.constant 0 : i32
        %dma_start3A_885 = tpu.memref_slice %arg5[%add3A_869, %dma_start3A_884] : memref<16x400xi32, #tpu.memory_space<vmem>> -> memref<1x400xi32, #tpu.memory_space<vmem>>
        %dma_start3A_886 = tpu.memref_squeeze %dma_start3A_885 : memref<1x400xi32, #tpu.memory_space<vmem>> -> memref<400xi32, #tpu.memory_space<vmem>>
        %dma_start3A_887 = arith.constant 0 : i32
        %dma_start3A_888 = arith.constant 0 : i32
        %dma_start3A_889 = tpu.memref_slice %arg3[%dma_start3A_887, %dma_start3A_888] : memref<100000x64xf32, #tpu.memory_space<hbm>> -> memref<100000x64xf32, #tpu.memory_space<hbm>>
        tpu.enqueue_indirect_dma source(%dma_start3A_889 : memref<100000x64xf32, #tpu.memory_space<hbm>>) target(%dma_start3A_883 : memref<400x64xf32, #tpu.memory_space<vmem>>) offsets(%dma_start3A_886 : memref<400xi32, #tpu.memory_space<vmem>>) semaphore(%arg8 : memref<!tpu.dma_semaphore, #tpu.memory_space<semaphore_mem>>)
      } else {
      }
    }
    %scan3A_29 = arith.constant 4 : i32
    %dma_wait3A = arith.constant 0 : i32
    %dma_wait3A_30 = arith.constant 0 : i32
    %dma_wait3A_31 = arith.constant 0 : i32
    %dma_wait3A_32 = tpu.memref_slice %arg6[%dma_wait3A, %dma_wait3A_30, %dma_wait3A_31] : memref<4x400x64xf32, #tpu.memory_space<vmem>> -> memref<1x400x64xf32, #tpu.memory_space<vmem>>
    %dma_wait3A_33 = tpu.memref_squeeze %dma_wait3A_32 : memref<1x400x64xf32, #tpu.memory_space<vmem>> -> memref<400x64xf32, #tpu.memory_space<vmem>>
    %dma_wait3A_34 = arith.constant 0 : i32
    %dma_wait3A_35 = arith.constant 0 : i32
    %dma_wait3A_36 = tpu.memref_slice %arg3[%dma_wait3A_34, %dma_wait3A_35] : memref<100000x64xf32, #tpu.memory_space<hbm>> -> memref<400x64xf32, #tpu.memory_space<hbm>>
    %dma_wait3A_37 = arith.constant 0 : i32
    %dma_wait3A_38 = arith.constant 0 : i32
    %dma_wait3A_39 = tpu.memref_slice %arg6[%dma_wait3A, %dma_wait3A_37, %dma_wait3A_38] : memref<4x400x64xf32, #tpu.memory_space<vmem>> -> memref<1x400x64xf32, #tpu.memory_space<vmem>>
    %dma_wait3A_40 = tpu.memref_squeeze %dma_wait3A_39 : memref<1x400x64xf32, #tpu.memory_space<vmem>> -> memref<400x64xf32, #tpu.memory_space<vmem>>
    %dma_wait3A_41 = arith.constant 0 : i32
    %dma_wait3A_42 = arith.constant 0 : i32
    %dma_wait3A_43 = tpu.memref_slice %arg3[%dma_wait3A_41, %dma_wait3A_42] : memref<100000x64xf32, #tpu.memory_space<hbm>> -> memref<400x64xf32, #tpu.memory_space<hbm>>
    tpu.wait_dma2 semaphore(%arg11 : memref<!tpu.dma_semaphore, #tpu.memory_space<semaphore_mem>>) src(%dma_wait3A_43 : memref<400x64xf32, #tpu.memory_space<hbm>>) dst(%dma_wait3A_40 : memref<400x64xf32, #tpu.memory_space<vmem>>)
    %dma_wait3A_44 = arith.constant 1 : i32
    %dma_wait3A_45 = arith.constant 0 : i32
    %dma_wait3A_46 = arith.constant 0 : i32
    %dma_wait3A_47 = tpu.memref_slice %arg6[%dma_wait3A_44, %dma_wait3A_45, %dma_wait3A_46] : memref<4x400x64xf32, #tpu.memory_space<vmem>> -> memref<1x400x64xf32, #tpu.memory_space<vmem>>
    %dma_wait3A_48 = tpu.memref_squeeze %dma_wait3A_47 : memref<1x400x64xf32, #tpu.memory_space<vmem>> -> memref<400x64xf32, #tpu.memory_space<vmem>>
    %dma_wait3A_49 = arith.constant 0 : i32
    %dma_wait3A_50 = arith.constant 0 : i32
    %dma_wait3A_51 = tpu.memref_slice %arg3[%dma_wait3A_49, %dma_wait3A_50] : memref<100000x64xf32, #tpu.memory_space<hbm>> -> memref<400x64xf32, #tpu.memory_space<hbm>>
    %dma_wait3A_52 = arith.constant 0 : i32
    %dma_wait3A_53 = arith.constant 0 : i32
    %dma_wait3A_54 = tpu.memref_slice %arg6[%dma_wait3A_44, %dma_wait3A_52, %dma_wait3A_53] : memref<4x400x64xf32, #tpu.memory_space<vmem>> -> memref<1x400x64xf32, #tpu.memory_space<vmem>>
    %dma_wait3A_55 = tpu.memref_squeeze %dma_wait3A_54 : memref<1x400x64xf32, #tpu.memory_space<vmem>> -> memref<400x64xf32, #tpu.memory_space<vmem>>
    %dma_wait3A_56 = arith.constant 0 : i32
    %dma_wait3A_57 = arith.constant 0 : i32
    %dma_wait3A_58 = tpu.memref_slice %arg3[%dma_wait3A_56, %dma_wait3A_57] : memref<100000x64xf32, #tpu.memory_space<hbm>> -> memref<400x64xf32, #tpu.memory_space<hbm>>
    tpu.wait_dma2 semaphore(%arg12 : memref<!tpu.dma_semaphore, #tpu.memory_space<semaphore_mem>>) src(%dma_wait3A_58 : memref<400x64xf32, #tpu.memory_space<hbm>>) dst(%dma_wait3A_55 : memref<400x64xf32, #tpu.memory_space<vmem>>)
    %dma_wait3A_59 = arith.constant 2 : i32
    %dma_wait3A_60 = arith.constant 0 : i32
    %dma_wait3A_61 = arith.constant 0 : i32
    %dma_wait3A_62 = tpu.memref_slice %arg6[%dma_wait3A_59, %dma_wait3A_60, %dma_wait3A_61] : memref<4x400x64xf32, #tpu.memory_space<vmem>> -> memref<1x400x64xf32, #tpu.memory_space<vmem>>
    %dma_wait3A_63 = tpu.memref_squeeze %dma_wait3A_62 : memref<1x400x64xf32, #tpu.memory_space<vmem>> -> memref<400x64xf32, #tpu.memory_space<vmem>>
    %dma_wait3A_64 = arith.constant 0 : i32
    %dma_wait3A_65 = arith.constant 0 : i32
    %dma_wait3A_66 = tpu.memref_slice %arg3[%dma_wait3A_64, %dma_wait3A_65] : memref<100000x64xf32, #tpu.memory_space<hbm>> -> memref<400x64xf32, #tpu.memory_space<hbm>>
    %dma_wait3A_67 = arith.constant 0 : i32
    %dma_wait3A_68 = arith.constant 0 : i32
    %dma_wait3A_69 = tpu.memref_slice %arg6[%dma_wait3A_59, %dma_wait3A_67, %dma_wait3A_68] : memref<4x400x64xf32, #tpu.memory_space<vmem>> -> memref<1x400x64xf32, #tpu.memory_space<vmem>>
    %dma_wait3A_70 = tpu.memref_squeeze %dma_wait3A_69 : memref<1x400x64xf32, #tpu.memory_space<vmem>> -> memref<400x64xf32, #tpu.memory_space<vmem>>
    %dma_wait3A_71 = arith.constant 0 : i32
    %dma_wait3A_72 = arith.constant 0 : i32
    %dma_wait3A_73 = tpu.memref_slice %arg3[%dma_wait3A_71, %dma_wait3A_72] : memref<100000x64xf32, #tpu.memory_space<hbm>> -> memref<400x64xf32, #tpu.memory_space<hbm>>
    tpu.wait_dma2 semaphore(%arg13 : memref<!tpu.dma_semaphore, #tpu.memory_space<semaphore_mem>>) src(%dma_wait3A_73 : memref<400x64xf32, #tpu.memory_space<hbm>>) dst(%dma_wait3A_70 : memref<400x64xf32, #tpu.memory_space<vmem>>)
    %dma_wait3A_74 = arith.constant 3 : i32
    %dma_wait3A_75 = arith.constant 0 : i32
    %dma_wait3A_76 = arith.constant 0 : i32
    %dma_wait3A_77 = tpu.memref_slice %arg6[%dma_wait3A_74, %dma_wait3A_75, %dma_wait3A_76] : memref<4x400x64xf32, #tpu.memory_space<vmem>> -> memref<1x400x64xf32, #tpu.memory_space<vmem>>
    %dma_wait3A_78 = tpu.memref_squeeze %dma_wait3A_77 : memref<1x400x64xf32, #tpu.memory_space<vmem>> -> memref<400x64xf32, #tpu.memory_space<vmem>>
    %dma_wait3A_79 = arith.constant 0 : i32
    %dma_wait3A_80 = arith.constant 0 : i32
    %dma_wait3A_81 = tpu.memref_slice %arg3[%dma_wait3A_79, %dma_wait3A_80] : memref<100000x64xf32, #tpu.memory_space<hbm>> -> memref<400x64xf32, #tpu.memory_space<hbm>>
    %dma_wait3A_82 = arith.constant 0 : i32
    %dma_wait3A_83 = arith.constant 0 : i32
    %dma_wait3A_84 = tpu.memref_slice %arg6[%dma_wait3A_74, %dma_wait3A_82, %dma_wait3A_83] : memref<4x400x64xf32, #tpu.memory_space<vmem>> -> memref<1x400x64xf32, #tpu.memory_space<vmem>>
    %dma_wait3A_85 = tpu.memref_squeeze %dma_wait3A_84 : memref<1x400x64xf32, #tpu.memory_space<vmem>> -> memref<400x64xf32, #tpu.memory_space<vmem>>
    %dma_wait3A_86 = arith.constant 0 : i32
    %dma_wait3A_87 = arith.constant 0 : i32
    %dma_wait3A_88 = tpu.memref_slice %arg3[%dma_wait3A_86, %dma_wait3A_87] : memref<100000x64xf32, #tpu.memory_space<hbm>> -> memref<400x64xf32, #tpu.memory_space<hbm>>
    tpu.wait_dma2 semaphore(%arg14 : memref<!tpu.dma_semaphore, #tpu.memory_space<semaphore_mem>>) src(%dma_wait3A_88 : memref<400x64xf32, #tpu.memory_space<hbm>>) dst(%dma_wait3A_85 : memref<400x64xf32, #tpu.memory_space<vmem>>)
    return
  }
}

</mosaic_0001>

<sc_bundles>
// kernel: kernel.3.cloned.1.call-start
scs
__scs_entry_jumppad:
0x0: {  	(pc) =	sbr.rel $0x88, $3  }
0x1: {  	(tag) =	ssettag $0x0;
	lr =	simm.s32 $0x1  }
0x2: {  	[smem:$0x3F9F] =	sst lr;
	_ =	strace $0xD0000000  }
0x3: {  	_ = 	snop  }
0x4: {  	_ = 	snop  }
0x5: {  	_ = 	snop  }
0x6: {  	_ = 	snop  }
0x7: {  	_ = 	snop  }
__scs_overlays_trampoline_lowered:
0x8: {  	[smem:$0x3FAE] =	sst s0  }
0x9: {  	[smem:$0x3FAF] =	sst s1  }
0xa: {  	[smem:$0x3FB0] =	sst s2  }
0xb: {  	[smem:$0x3FB1] =	sst s3  }
0xc: {  	[smem:$0x3FB2] =	sst s4  }
0xd: {  	[smem:$0x3FB3] =	sst s5  }
0xe: {  	[smem:$0x3FB4] =	sst s6  }
0xf: {  	[smem:$0x3FB5] =	sst s7  }
0x10: {  	[smem:$0x3FB6] =	sst s8  }
0x11: {  	[smem:$0x3FB7] =	sst s9;
	s0 =	simm.s32 @!p0 $0x0  }
0x12: {  	s1 =	sld [smem:$0x3F9D];
	s0 =	simm.s32 @p0 $0x1  }
0x13: {  	[smem:$0x3FB8] =	sst s0;
	s0 =	simm.s32 @!p1 $0x0  }
0x14: {  	s2 =	sld [smem:$0x3F9C];
	s0 =	simm.s32 @p1 $0x1  }
0x15: {  	[smem:$0x3FB9] =	sst s0;
	s0 =	simm.s32 @!p2 $0x0  }
0x16: {  	s3 =	sld [smem:$0x3FDB];
	s0 =	simm.s32 @p2 $0x1  }
0x17: {  	s4 =	simm.s32 $0x1BF5;
	[smem:$0x3FBB] =	sst s0  }
0x18: {  	s0 =	sld [smem:$0x3F9E];
	_ =	swait.ge [sflag:s4], $0x0  }
0x19: {  	s7 =	sld [smem:$0x3F9F]  }
0x1a: {  	s8 =	sadd.s32 $0xFFFFE003, lr  }
0x1b: {  	s9 =	sadd.s32 $0xFFFFFEF7, lr;
	s5 =	simm.s32 $0xFFFFFFFF;
	p2 =	slt.u32 s8, $0xFFFFF086  }
0x1c: {  	p1 =	slt.u32 s9, $0xF7A;
	s5 =	simm.s32 @!p2 $0x0  }
0x1d: {  	s5 =	simm.s32 @p1 $0x1;
	p0 =	seq.s32 s7, s2  }
0x1e: {  	s7 =	smul.u32 @!p0 $0xF7A, s2;
	p2 =	seq.s32 @!p0 s5, $0x0  }
0x1f: {  	s9 =	smul.u32 $0xF7A, s1;
	s8 =	simm.s32 @!p0 $0x1BF5;
	p2 =	por !p2, p0  }
0x20: {  	[sflag:s8] =	ssyncset.s32 @!p0 $0xFFFFF086;
	s6 =	sadd.s32 @!p0 s3, s7;
	s7 =	simm.s32 @!p0 $0x108  }
0x21: {  	s3 =	sadd.s32 s3, s9;
	s6 =	sadd.s32 @!p0 $0x88, s6;
	s7 =	simm.s32 @p2 $0x1082  }
0x22: {  	[simem:s7], [sflag:s8] =	dma.local @!p0 [hbm:s6], $0xF7A  }
0x23: {  	s9 =	sor.u32 $0xD0000000, s2;
	s6 =	simm.s32 $0x108;
	_ =	swait.ge @!p0 [sflag:s8], $0x0  }
0x24: {  	s3 =	sadd.s32 $0x88, s3;
	s6 =	simm.s32 @!p1 $0x1082;
	[sflag:s4] =	ssyncset.s32 $0xFFFFF086  }
0x25: {  	[simem:s6], [sflag:s4] =	dma.local [hbm:s3], $0xF7A  }
0x26: {  	[smem:$0x3F9F] =	sst s1;
	(tag) =	ssettag s2;
	_ =	strace s9  }
0x27: {  	s1 =	sld [smem:$0x3FAF]  }
0x28: {  	s2 =	sld [smem:$0x3FB0]  }
0x29: {  	s4 =	sld [smem:$0x3FB2]  }
0x2a: {  	p0 =	seq.s32 s5, $0x0;
	s5 =	sld [smem:$0x3FB3]  }
0x2b: {  	s6 =	sld [smem:$0x3FB4]  }
0x2c: {  	s7 =	sld [smem:$0x3FB5]  }
0x2d: {  	s3 =	simm.s32 $0x108;
	s8 =	sld [smem:$0x3FB6]  }
0x2e: {  	s3 =	simm.s32 @!p0 $0x1082;
	s9 =	sld [smem:$0x3FB7]  }
0x2f: {  	lr =	sadd.s32 s0, s3;
	s0 =	sld [smem:$0x3FAE]  }
0x30: {  	s3 =	sld [smem:$0x3FB1]  }
0x31: {  	[smem:$0x3FBA] =	sst s10  }
0x32: {  	s10 =	sld [smem:$0x3FB8];
	_ =	sdelay $0x3  }
0x33: {  	p0 =	seq.s32 s10, $0x1;
	s10 =	sld [smem:$0x3FBA];
	_ =	sdelay $0x3  }
0x34: {  	[smem:$0x3FBA] =	sst s10  }
0x35: {  	s10 =	sld [smem:$0x3FB9];
	_ =	sdelay $0x3  }
0x36: {  	p1 =	seq.s32 s10, $0x1;
	s10 =	sld [smem:$0x3FBA];
	_ =	sdelay $0x3  }
0x37: {  	[smem:$0x3FBA] =	sst s10  }
0x38: {  	s10 =	sld [smem:$0x3FBB]  }
0x39: {  	_ = 	snop;
	(pc) =	sbr.ind lr, $3  }
0x3a: {  	_ = 	snop  }
0x3b: {  	_ = 	snop  }
0x3c: {  	p2 =	seq.s32 s10, $0x1;
	s10 =	sld [smem:$0x3FBA]  }
0x3d: {  	_ =	shalt  }
0x3e: {  	_ =	shalt  }
0x3f: {  	_ =	shalt  }
0x40: {  	_ =	shalt  }
0x41: {  	_ =	shalt  }
0x42: {  	_ =	shalt  }
0x43: {  	_ =	shalt  }
0x44: {  	_ =	shalt  }
0x45: {  	_ =	shalt  }
0x46: {  	_ =	shalt  }
0x47: {  	_ =	shalt  }
0x48: {  	_ =	shalt  }
0x49: {  	_ =	shalt  }
0x4a: {  	_ =	shalt  }
0x4b: {  	_ =	shalt  }
0x4c: {  	_ =	shalt  }
0x4d: {  	_ =	shalt  }
0x4e: {  	_ =	shalt  }
0x4f: {  	_ =	shalt  }
0x50: {  	_ =	shalt  }
0x51: {  	_ =	shalt  }
0x52: {  	_ =	shalt  }
0x53: {  	_ =	shalt  }
0x54: {  	_ =	shalt  }
0x55: {  	_ =	shalt  }
0x56: {  	_ =	shalt  }
0x57: {  	_ =	shalt  }
0x58: {  	_ =	shalt  }
0x59: {  	_ =	shalt  }
0x5a: {  	_ =	shalt  }
0x5b: {  	_ =	shalt  }
0x5c: {  	_ =	shalt  }
0x5d: {  	_ =	shalt  }
0x5e: {  	_ =	shalt  }
0x5f: {  	_ =	shalt  }
0x60: {  	_ =	shalt  }
0x61: {  	_ =	shalt  }
0x62: {  	_ =	shalt  }
0x63: {  	_ =	shalt  }
0x64: {  	_ =	shalt  }
0x65: {  	_ =	shalt  }
0x66: {  	_ =	shalt  }
0x67: {  	_ =	shalt  }
0x68: {  	_ =	shalt  }
0x69: {  	_ =	shalt  }
0x6a: {  	_ =	shalt  }
0x6b: {  	_ =	shalt  }
0x6c: {  	_ =	shalt  }
0x6d: {  	_ =	shalt  }
0x6e: {  	_ =	shalt  }
0x6f: {  	_ =	shalt  }
0x70: {  	_ =	shalt  }
0x71: {  	_ =	shalt  }
0x72: {  	_ =	shalt  }
0x73: {  	_ =	shalt  }
0x74: {  	_ =	shalt  }
0x75: {  	_ =	shalt  }
0x76: {  	_ =	shalt  }
0x77: {  	_ =	shalt  }
0x78: {  	_ =	shalt  }
0x79: {  	_ =	shalt  }
0x7a: {  	_ =	shalt  }
0x7b: {  	_ =	shalt  }
0x7c: {  	_ =	shalt  }
0x7d: {  	_ =	shalt  }
0x7e: {  	_ =	shalt  }
0x7f: {  	_ =	shalt  }
0x80: {  	_ =	shalt  }
0x81: {  	_ =	shalt  }
0x82: {  	_ =	shalt  }
0x83: {  	_ =	shalt  }
0x84: {  	_ =	shalt  }
0x85: {  	_ =	shalt  }
0x86: {  	_ =	shalt  }
0x87: {  	_ =	shalt  }
.Lfunc_end0:
.L_simem_size_0:
called_computation.1_lowered:
.L_overlay_start_0:
0x88: {  	s2 =	sld [smem:$0x3FD9]  }
0x89: {  	s3 =	sld [smem:$0x3FFE];
	_ =	sdelay $0x1  }
0x8a: {  	s1 =	srdreg.scid  }
0x8b: {  	s0 =	sand.u32 $0x1, s1  }
0x8c: {  	s17 =	sshll.u32 s0, $0xA;
	s2 =	sadd.s32 s3, s2  }
0x8d: {  	s2 =	sadd.s32 s2, s17  }
0x8e: {  	[smem:$0x3FC6] =	sst s2  }
0x8f: {  	_ = 	snop  }
0x90: {  	s2 =	sld [smem:$0x3FD0];
	(tm) =	ssettm $0x1  }
0x91: {  	s18 =	sld [smem:$0x3FFB];
	_ =	sdelay $0x3  }
0x92: {  	_ =	strace s18  }
0x93: {  	s3 =	sld [smem:$0x3FFC];
	_ =	sdelay $0x3  }
0x94: {  	_ =	strace s3  }
0x95: {  	s3 =	sld [smem:$0x3FFD];
	_ =	sdelay $0x3  }
0x96: {  	_ =	strace s3  }
0x97: {  	_ =	strace $0x8FFFFFFF  }
0x98: {  	s19 =	sld [smem:$0x3FDB];
	_ =	sdelay $0x1  }
0x99: {  	s4 =	simm.s32 $_scs_section_size  }
0x9a: {  	s5 =	simm.s32 $_size__tile_overlayer_lowered;
	s6 =	simm.s32 $_tile_overlayer_lowered  }
0x9b: {  	s22 =	simm.s32 $0x1BFF;
	s21 =	sshll.u32 s6, $0x1;
	s3 =	sadd.s32 s4, s19  }
0x9c: {  	s7 =	simm.s32 $0x0;
	s20 =	sshll.u32 s5, $0x1;
	s5 =	sadd.s32 s21, s3  }
0x9d: {  	[timem:s7], [sflag:s22] =	dma.local [hbm:s5], s20  }
0x9e: {  	_ =	swait.ge [sflag:s22], s20  }
0x9f: {  	s4 =	ssub.s32 $0x0, s20;
	[sflag:s22] =	ssyncset.done $0x0  }
0xa0: {  	[sflag:s22] =	ssyncadd.s32 s4;
	_ =	sdelay $0x1  }
0xa1: {  	s23 =	simm.s32 $0x1B8B  }
0xa2: {  	_ =	swait.ge [sflag:s23], $0x1  }
0xa3: {  	[sflag:s23] =	ssyncset.done $0x0  }
0xa4: {  	s25 =	simm.s32 $0x1B8E;
	s24 =	sld [smem:$0x3FFE];
	[sflag:s23] =	ssyncadd.s32 $0xFFFFFFFF  }
0xa5: {  	s26 =	simm.s32 $execute0_lowered;
	[smem:$0x3FD2] =	sst s25  }
0xa6: {  	s5 =	sshll.u32 s26, $0x1;
	_ =	strace $0x80000046;
	[dreg:$0x1] =	wrdreg $0xFFFFFFFF  }
0xa7: {  	s28 =	simm.s32 $_size_execute0_lowered;
	s3 =	sadd.s32 s3, s5;
	[dreg:$0x0] =	wrdreg $0x0  }
0xa8: {  	s5 =	sshll.u32 s28, $0x1;
	[dreg:$0x2] =	wrdreg s3  }
0xa9: {  	[dreg:$0x3] =	wrdreg s5  }
0xaa: {  	[dreg:$0x4] =	wrdreg $0xC0  }
0xab: {  	_ =	task [dreg:s7], $0x5FFFF  }
0xac: {  	[dreg:$0x1] =	wrdreg $0xFFFFFFFF  }
0xad: {  	[dreg:$0x0] =	wrdreg $0x60  }
0xae: {  	[dreg:$0x2] =	wrdreg s24  }
0xaf: {  	[dreg:$0x3] =	wrdreg s2  }
0xb0: {  	[dreg:$0x4] =	wrdreg $0x9  }
0xb1: {  	_ =	task.clear_ibuf [dreg:s7], $0x5FFFF;
	_ =	strace $0x90000046  }
0xb2: {  	s29 =	simm.s32 $0x9;
	_ =	strace $0x80000048  }
0xb3: {  	_ =	swait.ge [sflag:s29], $0x1  }
0xb4: {  	[sflag:s29] =	ssyncadd.s32 $0xFFFFFFFF  }
0xb5: {  	_ =	strace $0x90000048  }
0xb6: {  	_ =	sfence  }
0xb7: {  	s30 =	sld [smem:$0x0];
	_ =	sdelay $0x2  }
0xb8: {  	s31 =	sshll.u32 s1, $0xD;
	s1 =	sshrl.u32 s1, $0x2  }
0xb9: {  	s3 =	sand.u32 $0x4000, s31;
	s1 =	sadd.s32 s1, s30  }
0xba: {  	s0 =	sor.u32 s3, s0;
	s1 =	sshll.u32 s1, $0x11  }
0xbb: {  	s0 =	sor.u32 s1, s0  }
0xbc: {  	s0 =	sadd.s32 $0x8F2B, s0  }
0xbd: {  	[sflag:s0] =	ssyncadd.remote.s32 $0x1  }
0xbe: {  	_ =	sfence.sel $0xFFFF  }
0xbf: {  	[dreg:$0x0] =	wrdreg $0xFFFFFFFF;
	(pc) =	sbr.abs _section_cstart, $3  }
0xc0: {  	[dreg:$0x1] =	wrdreg $0xFFFFFFFF  }
0xc1: {  	_ =	task.clear_ibuf [dreg:s7], $0x2FFFF;
	_ =	strace $0x9FFFFFFF  }
0xc2: {  	(tm) =	ssettm $0x7FFFFFFF  }
0xc3: {  	_ =	shalt  }
tec
execute0_lowered:
.L_overlay_start_1:
0x0: {  	(tag) =	ssettag $0x1  }
0x1: {  	s9 =	stileid.u32  }
0x2: {  	s0 =	srdreg.scid;
	s1 =	simm.s32 $0x0;
	s3 =	smul.u32 $0xC8000, s9  }
0x3: {  	s5 =	sand.u32 $0x1, s0;
	s0 =	rddreg [dreg:$0x1];
	s24 =	smul.u32 $0x19000, s9  }
0x4: {  	s2 =	sshll.u32 s9, $0x1;
	[smem:$0x7FF] =	sst s1;
	s4 =	smul.u32 $0x64000, s5  }
0x5: {  	s2 =	sor.u32 s5, s2;
	s15 =	ssub.s32 $0x2, s5;
	s5 =	smul.u32 $0xC800, s5  }
0x6: {  	s2 =	smul.u32 $0x320, s2;
	s8 =	sshrl.u32 s15, $0x1;
	s26 =	sadd.s32 s24, s0  }
0x7: {  	s4 =	sadd.s32 s4, s3;
	s3 =	ssub.s32 s15, s8;
	s5 =	sadd.s32 s5, s26  }
0x8: {  	s6 =	sadd.s32 $0xBB80, s4;
	s7 =	sadd.s32 $0xAF00, s4;
	s17 =	sadd.s32 $0xA280, s4  }
0x9: {  	s18 =	sadd.s32 $0x9600, s4;
	s19 =	sadd.s32 $0x8980, s4;
	s22 =	sadd.s32 $0x7D00, s4  }
0xa: {  	s23 =	sadd.s32 $0x7080, s4;
	[dreg:$0xa] =	wrdreg s5;
	s11 =	sor.u32 $0x3200, s4  }
0xb: {  	s12 =	sor.u32 $0x2580, s4;
	s13 =	sor.u32 $0x1900, s4;
	s24 =	sadd.s32 $0x13880, s4  }
0xc: {  	s26 =	sadd.s32 $0x11300, s4;
	s6 =	sshrl.u32 s6, $0x3;
	s7 =	sshrl.u32 s7, $0x3  }
0xd: {  	s8 =	sshrl.u32 s19, $0x3;
	s15 =	sshrl.u32 s13, $0x3;
	s13 =	rddreg [dreg:$0x0]  }
0xe: {  	s6 =	sadd.s32 s6, s0;
	s16 =	sadd.s32 s7, s0;
	s7 =	sshrl.u32 s18, $0x3  }
0xf: {  	s21 =	sadd.s32 s8, s0;
	s8 =	sor.u32 $0x3E80, s4;
	[dreg:$0x3] =	wrdreg s6  }
0x10: {  	s18 =	sadd.s32 $0x16A80, s4;
	s29 =	sadd.s32 $0x6C00, s13;
	[dreg:$0x4] =	wrdreg s16  }
0x11: {  	s6 =	sshrl.u32 s17, $0x3;
	s20 =	sadd.s32 s7, s0;
	[dreg:$0x7] =	wrdreg s21  }
0x12: {  	s7 =	sshrl.u32 s23, $0x3;
	s10 =	sshrl.u32 s8, $0x3;
	s16 =	sadd.s32 $0x18380, s4  }
0x13: {  	s17 =	sadd.s32 $0x17700, s4;
	s19 =	sshrl.u32 s18, $0x3;
	s21 =	sadd.s32 $0x15180, s4  }
0x14: {  	s8 =	sadd.s32 $0x10680, s4;
	s6 =	sadd.s32 s6, s0;
	[dreg:$0x6] =	wrdreg s20  }
0x15: {  	s25 =	sadd.s32 s7, s0;
	s7 =	sadd.s32 $0x4B00, s4;
	s18 =	sadd.s32 s19, s0  }
0x16: {  	s20 =	sadd.s32 $0x15E00, s4;
	[dreg:$0x5] =	wrdreg s6;
	s6 =	sshrl.u32 s22, $0x3  }
0x17: {  	[dreg:$0x9] =	wrdreg s25;
	s22 =	sadd.s32 $0x14500, s4;
	s6 =	sadd.s32 s6, s0  }
0x18: {  	s25 =	sadd.s32 $0x11F80, s4;
	[dreg:$0x8] =	wrdreg s6;
	s6 =	sadd.s32 $0x5780, s4  }
0x19: {  	s23 =	sshrl.u32 s22, $0x3;
	s5 =	sshrl.u32 s6, $0x3;
	s6 =	sshrl.u32 s7, $0x3  }
0x1a: {  	s7 =	sshrl.u32 s26, $0x3;
	s5 =	sadd.s32 s5, s0;
	s9 =	sadd.s32 s6, s0  }
0x1b: {  	s6 =	sshrl.u32 s12, $0x3;
	s12 =	sadd.s32 $0xE100, s4;
	[dreg:$0xb] =	wrdreg s5  }
0x1c: {  	[dreg:$0xc] =	wrdreg s9;
	s5 =	sadd.s32 s10, s0;
	s14 =	sadd.s32 s6, s0  }
0x1d: {  	s6 =	sshrl.u32 s17, $0x3;
	s9 =	sadd.s32 $0xFA00, s4;
	s10 =	sadd.s32 $0xED80, s4  }
0x1e: {  	s4 =	sadd.s32 $0xD480, s4;
	[dreg:$0xd] =	wrdreg s5;
	s5 =	sshrl.u32 s11, $0x3  }
0x1f: {  	[dreg:$0xf] =	wrdreg s14;
	s17 =	sadd.s32 s6, s0;
	s6 =	sshrl.u32 s21, $0x3  }
0x20: {  	s21 =	sadd.s32 s23, s0;
	s11 =	sshrl.u32 s10, $0x3;
	s4 =	sshrl.u32 s4, $0x3  }
0x21: {  	s14 =	sadd.s32 s2, s13;
	s2 =	simm.s32 $0x7D00;
	s5 =	sadd.s32 s5, s0  }
0x22: {  	s28 =	sadd.s32 s11, s0;
	s31 =	sadd.s32 s4, s0;
	s4 =	simm.s32 $0xE100  }
0x23: {  	[dreg:$0xe] =	wrdreg s5;
	s5 =	sadd.s32 s15, s0;
	s15 =	smax.u32 s3, $0x1  }
0x24: {  	s3 =	simm.s32 $0x1;
	[dreg:$0x10] =	wrdreg s5;
	s5 =	sshrl.u32 s16, $0x3  }
0x25: {  	s16 =	sadd.s32 s5, s0;
	s5 =	sshrl.u32 s20, $0x3;
	s20 =	sadd.s32 s6, s0  }
0x26: {  	s6 =	sshrl.u32 s25, $0x3;
	_ =	strace $0x80000047;
	[dreg:$0x12] =	wrdreg s15  }
0x27: {  	s19 =	sadd.s32 s5, s0;
	s5 =	sshrl.u32 s24, $0x3;
	s23 =	sadd.s32 s6, s0  }
0x28: {  	s24 =	sadd.s32 s7, s0;
	s6 =	sshrl.u32 s9, $0x3;
	s7 =	simm.s32 $0x3  }
.Ltmp0:
0x29: {  	s9 =	simm.s32 $0x6;
	s22 =	sadd.s32 s5, s0;
	(pc) =	sbr.rel .LBB2_1-.Ltmp0, $4  }
0x2a: {  	s5 =	sshrl.u32 s8, $0x3;
	s26 =	sadd.s32 s6, s0;
	s6 =	simm.s32 $0x14500  }
0x2b: {  	s8 =	simm.s32 $0x4;
	s25 =	sadd.s32 s5, s0;
	s5 =	sshrl.u32 s12, $0x3  }
0x2c: {  	s12 =	simm.s32 $0x0;
	s30 =	sadd.s32 s5, s0;
	s0 =	sadd.s32 $0x800, s14  }
0x2d: {  	s5 =	simm.s32 $0x2;
	[dreg:$0x11] =	wrdreg s0;
	s0 =	simm.s32 $0x190  }
.LBB2_4:
0x2e: {  	s10 =	simm.s32 $0x5  }
0x2f: {  	_ =	swait.ge [sflag:s10], $0x6400  }
0x30: {  	[sflag:s10] =	ssyncset.done $0x0  }
0x31: {  	[sflag:s10] =	ssyncadd.s32 $0xFFFF9C00  }
0x32: {  	_ =	swait.ge [sflag:s9], $0x6400  }
0x33: {  	[sflag:s9] =	ssyncset.done $0x0  }
0x34: {  	s14 =	simm.s32 $0x7;
	[sflag:s9] =	ssyncadd.s32 $0xFFFF9C00  }
0x35: {  	_ =	swait.ge [sflag:s14], $0x6400  }
0x36: {  	[sflag:s14] =	ssyncset.done $0x0  }
0x37: {  	s11 =	simm.s32 $0x8;
	[sflag:s14] =	ssyncadd.s32 $0xFFFF9C00  }
0x38: {  	_ =	swait.ge [sflag:s11], $0x6400  }
0x39: {  	s12 =	rddreg [dreg:$0x13]  }
0x3a: {  	s15 =	rddreg [dreg:$0x12];
	s12 =	sadd.s32 $0x1, s12  }
0x3b: {  	p0 =	sne.s32 s12, s15  }
.Ltmp1:
0x3c: {  	_ = 	snop;
	(pc) =	sbr.rel @!p0 .LBB2_5-.Ltmp1, $3  }
0x3d: {  	_ =	sdelay $0x1  }
0x3e: {  	[sflag:s11] =	ssyncset.done $0x0  }
0x3f: {  	[sflag:s11] =	ssyncadd.s32 $0xFFFF9C00  }
.LBB2_1:
0x40: {  	[dreg:$0x13] =	wrdreg s12  }
0x41: {  	s10 =	rddreg [dreg:$0x11];
	s14 =	simm.s32 $0x9  }
0x42: {  	[tilespmem:s1], [sflag:$0x9] =	stream.linear.gather [hbm4b:s10+s1], $0x1900, $0x38;
	[tilespmem:$0x1A900] =	vst v63  }
0x43: {  	_ =	swait.ge [sflag:s14], $0x1900  }
0x44: {  	[sflag:s14] =	ssyncset.done $0x0  }
0x45: {  	s15 =	simm.s32 $0x1900;
	[sflag:s14] =	ssyncadd.s32 $0xFFFFE700  }
0x46: {  	[tilespmem:s15], [sflag:$0x1] =	stream.indirect.gather [hbm4b:s29+s0], $0x40, s1, s0, $0xb8;
	[tilespmem:$0x1A900] =	vst v63  }
0x47: {  	s11 =	simm.s32 $0x0;
	s10 =	simm.s32 $0x7D0  }
0x48: {  	[tilespmem:s2], [sflag:$0x2] =	stream.indirect.gather [hbm4b:s29+s0], $0x40, s0, s0, $0xb8;
	[tilespmem:$0x1A900] =	vst v63  }
.LBB2_2:
0x49: {  	_ =	swait.ge [sflag:s3], $0x6400  }
0x4a: {  	[sflag:s3] =	ssyncset.done $0x0;
	s12 =	rddreg [dreg:$0xa]  }
0x4b: {  	s13 =	simm.s32 $0x1900;
	[sflag:s3] =	ssyncadd.s32 $0xFFFF9C00;
	s12 =	sadd.s32 s11, s12  }
0x4c: {  	[hbm4b:s12+s1] =	stream.linear.scatter [tilespmem:s13], [sflag:$0x5], $0xC80, $0x38;
	[tilespmem:$0x1A900] =	vst v63  }
0x4d: {  	s14 =	simm.s32 $0x2580;
	s15 =	sadd.s32 $0x190, s12  }
0x4e: {  	[hbm4b:s15+s1] =	stream.linear.scatter [tilespmem:s14], [sflag:$0x5], $0xC80, $0x38;
	[tilespmem:$0x1A900] =	vst v63  }
0x4f: {  	s14 =	rddreg [dreg:$0x10]  }
0x50: {  	s15 =	simm.s32 $0x3200;
	s13 =	sadd.s32 s11, s14;
	s14 =	rddreg [dreg:$0xf]  }
0x51: {  	[hbm4b:s13+s1] =	stream.linear.scatter [tilespmem:s15], [sflag:$0x5], $0xC80, $0x38;
	[tilespmem:$0x1A900] =	vst v63  }
0x52: {  	s13 =	sadd.s32 s11, s14;
	s15 =	simm.s32 $0x3E80;
	s14 =	rddreg [dreg:$0xe]  }
0x53: {  	[hbm4b:s13+s1] =	stream.linear.scatter [tilespmem:s15], [sflag:$0x5], $0xC80, $0x38;
	[tilespmem:$0x1A900] =	vst v63  }
0x54: {  	s13 =	sadd.s32 s11, s14;
	s15 =	simm.s32 $0x4B00;
	s14 =	rddreg [dreg:$0xd]  }
0x55: {  	[hbm4b:s13+s1] =	stream.linear.scatter [tilespmem:s15], [sflag:$0x5], $0xC80, $0x38;
	[tilespmem:$0x1A900] =	vst v63  }
0x56: {  	s13 =	sadd.s32 s11, s14;
	s15 =	simm.s32 $0x5780;
	s14 =	rddreg [dreg:$0xc]  }
0x57: {  	[hbm4b:s13+s1] =	stream.linear.scatter [tilespmem:s15], [sflag:$0x5], $0xC80, $0x38;
	[tilespmem:$0x1A900] =	vst v63  }
0x58: {  	s13 =	sadd.s32 s11, s14;
	s15 =	simm.s32 $0x6400;
	s14 =	rddreg [dreg:$0xb]  }
0x59: {  	[hbm4b:s13+s1] =	stream.linear.scatter [tilespmem:s15], [sflag:$0x5], $0xC80, $0x38;
	[tilespmem:$0x1A900] =	vst v63  }
0x5a: {  	p0 =	seq.s32 s11, $0x0;
	s13 =	sadd.s32 s11, s14;
	s15 =	simm.s32 $0x7080  }
0x5b: {  	[hbm4b:s13+s1] =	stream.linear.scatter [tilespmem:s15], [sflag:$0x5], $0xC80, $0x38;
	[tilespmem:$0x1A900] =	vst v63  }
0x5c: {  	s13 =	simm.s32 @!p0 $0x7  }
0x5d: {  	_ =	swait.ge @!p0 [sflag:s13], $0x6400  }
0x5e: {  	[sflag:s13] =	ssyncset.done @!p0 $0x0  }
0x5f: {  	s14 =	sadd.s32 $0xFFFFFB50, s10;
	[sflag:s13] =	ssyncadd.s32 @!p0 $0xFFFF9C00  }
0x60: {  	[tilespmem:s4], [sflag:$0x3] =	stream.indirect.gather [hbm4b:s29+s0], $0x40, s14, s0, $0xb8;
	[tilespmem:$0x1A900] =	vst v63  }
0x61: {  	_ =	swait.ge [sflag:s5], $0x6400  }
0x62: {  	[sflag:s5] =	ssyncset.done $0x0  }
0x63: {  	s15 =	sadd.s32 $0xC80, s12;
	s14 =	rddreg [dreg:$0x9];
	[sflag:s5] =	ssyncadd.s32 $0xFFFF9C00  }
0x64: {  	[hbm4b:s15+s1] =	stream.linear.scatter [tilespmem:s2], [sflag:$0x6], $0xC80, $0x38;
	[tilespmem:$0x1A900] =	vst v63  }
0x65: {  	s13 =	sadd.s32 s11, s14;
	s14 =	rddreg [dreg:$0x8];
	s15 =	simm.s32 $0x8980  }
0x66: {  	[hbm4b:s13+s1] =	stream.linear.scatter [tilespmem:s15], [sflag:$0x6], $0xC80, $0x38;
	[tilespmem:$0x1A900] =	vst v63  }
0x67: {  	s13 =	sadd.s32 s11, s14;
	s15 =	simm.s32 $0x9600;
	s14 =	rddreg [dreg:$0x7]  }
0x68: {  	[hbm4b:s13+s1] =	stream.linear.scatter [tilespmem:s15], [sflag:$0x6], $0xC80, $0x38;
	[tilespmem:$0x1A900] =	vst v63  }
0x69: {  	s13 =	sadd.s32 s11, s14;
	s15 =	simm.s32 $0xA280;
	s14 =	rddreg [dreg:$0x6]  }
0x6a: {  	[hbm4b:s13+s1] =	stream.linear.scatter [tilespmem:s15], [sflag:$0x6], $0xC80, $0x38;
	[tilespmem:$0x1A900] =	vst v63  }
0x6b: {  	s13 =	sadd.s32 s11, s14;
	s15 =	simm.s32 $0xAF00;
	s14 =	rddreg [dreg:$0x5]  }
0x6c: {  	[hbm4b:s13+s1] =	stream.linear.scatter [tilespmem:s15], [sflag:$0x6], $0xC80, $0x38;
	[tilespmem:$0x1A900] =	vst v63  }
0x6d: {  	s13 =	sadd.s32 s11, s14;
	s15 =	simm.s32 $0xBB80;
	s14 =	rddreg [dreg:$0x4]  }
0x6e: {  	[hbm4b:s13+s1] =	stream.linear.scatter [tilespmem:s15], [sflag:$0x6], $0xC80, $0x38;
	[tilespmem:$0x1A900] =	vst v63  }
0x6f: {  	s13 =	sadd.s32 s11, s14;
	s15 =	simm.s32 $0xC800;
	s14 =	rddreg [dreg:$0x3]  }
0x70: {  	[hbm4b:s13+s1] =	stream.linear.scatter [tilespmem:s15], [sflag:$0x6], $0xC80, $0x38;
	[tilespmem:$0x1A900] =	vst v63  }
0x71: {  	s13 =	sadd.s32 s11, s14;
	s15 =	simm.s32 $0xD480  }
0x72: {  	[hbm4b:s13+s1] =	stream.linear.scatter [tilespmem:s15], [sflag:$0x6], $0xC80, $0x38;
	[tilespmem:$0x1A900] =	vst v63  }
0x73: {  	s13 =	simm.s32 @!p0 $0x8  }
0x74: {  	_ =	swait.ge @!p0 [sflag:s13], $0x6400  }
0x75: {  	[sflag:s13] =	ssyncset.done @!p0 $0x0  }
0x76: {  	s14 =	sadd.s32 $0xFFFFFCE0, s10;
	[sflag:s13] =	ssyncadd.s32 @!p0 $0xFFFF9C00  }
0x77: {  	[tilespmem:s6], [sflag:$0x4] =	stream.indirect.gather [hbm4b:s29+s0], $0x40, s14, s0, $0xb8;
	[tilespmem:$0x1A900] =	vst v63  }
0x78: {  	_ =	swait.ge [sflag:s7], $0x6400  }
0x79: {  	[sflag:s7] =	ssyncset.done $0x0  }
0x7a: {  	s15 =	sadd.s32 $0x1900, s12;
	[sflag:s7] =	ssyncadd.s32 $0xFFFF9C00  }
0x7b: {  	[hbm4b:s15+s1] =	stream.linear.scatter [tilespmem:s4], [sflag:$0x7], $0xC80, $0x38;
	[tilespmem:$0x1A900] =	vst v63  }
0x7c: {  	s14 =	sadd.s32 s11, s31;
	s15 =	simm.s32 $0xED80  }
0x7d: {  	[hbm4b:s14+s1] =	stream.linear.scatter [tilespmem:s15], [sflag:$0x7], $0xC80, $0x38;
	[tilespmem:$0x1A900] =	vst v63  }
0x7e: {  	s14 =	sadd.s32 s11, s30;
	s15 =	simm.s32 $0xFA00  }
0x7f: {  	[hbm4b:s14+s1] =	stream.linear.scatter [tilespmem:s15], [sflag:$0x7], $0xC80, $0x38;
	[tilespmem:$0x1A900] =	vst v63  }
0x80: {  	s14 =	sadd.s32 s11, s28;
	s15 =	simm.s32 $0x10680  }
0x81: {  	[hbm4b:s14+s1] =	stream.linear.scatter [tilespmem:s15], [sflag:$0x7], $0xC80, $0x38;
	[tilespmem:$0x1A900] =	vst v63  }
0x82: {  	s14 =	sadd.s32 s11, s26;
	s15 =	simm.s32 $0x11300  }
0x83: {  	[hbm4b:s14+s1] =	stream.linear.scatter [tilespmem:s15], [sflag:$0x7], $0xC80, $0x38;
	[tilespmem:$0x1A900] =	vst v63  }
0x84: {  	s14 =	sadd.s32 s11, s25;
	s15 =	simm.s32 $0x11F80  }
0x85: {  	[hbm4b:s14+s1] =	stream.linear.scatter [tilespmem:s15], [sflag:$0x7], $0xC80, $0x38;
	[tilespmem:$0x1A900] =	vst v63  }
0x86: {  	p0 =	seq.s32 s11, $0x9600;
	s14 =	sadd.s32 s11, s24;
	s15 =	simm.s32 $0x12C00  }
0x87: {  	[hbm4b:s14+s1] =	stream.linear.scatter [tilespmem:s15], [sflag:$0x7], $0xC80, $0x38;
	[tilespmem:$0x1A900] =	vst v63  }
0x88: {  	s13 =	simm.s32 @!p0 $0x5;
	s14 =	sadd.s32 s11, s23;
	s15 =	simm.s32 $0x13880  }
0x89: {  	[hbm4b:s14+s1] =	stream.linear.scatter [tilespmem:s15], [sflag:$0x7], $0xC80, $0x38;
	[tilespmem:$0x1A900] =	vst v63  }
0x8a: {  	_ =	swait.ge @!p0 [sflag:s13], $0x6400  }
0x8b: {  	s14 =	simm.s32 @!p0 $0x190;
	[sflag:s13] =	ssyncset.done @!p0 $0x0  }
0x8c: {  	s15 =	simm.s32 @!p0 $0x1900;
	[sflag:s13] =	ssyncadd.s32 @!p0 $0xFFFF9C00;
	s13 =	sadd.s32 @!p0 $0xFFFFFE70, s10  }
0x8d: {  	[tilespmem:s15], [sflag:$0x1] =	stream.indirect.gather @!p0 [hbm4b:s29+s14], $0x40, s13, s14, $0xb8;
	[tilespmem:$0x1A900] =	vst v63  }
0x8e: {  	_ =	swait.ge [sflag:s8], $0x6400  }
0x8f: {  	[sflag:s8] =	ssyncset.done $0x0  }
0x90: {  	s12 =	sadd.s32 $0x2580, s12;
	[sflag:s8] =	ssyncadd.s32 $0xFFFF9C00  }
0x91: {  	[hbm4b:s12+s1] =	stream.linear.scatter [tilespmem:s6], [sflag:$0x8], $0xC80, $0x38;
	[tilespmem:$0x1A900] =	vst v63  }
0x92: {  	s14 =	sadd.s32 s11, s22;
	s15 =	simm.s32 $0x15180  }
0x93: {  	[hbm4b:s14+s1] =	stream.linear.scatter [tilespmem:s15], [sflag:$0x8], $0xC80, $0x38;
	[tilespmem:$0x1A900] =	vst v63  }
0x94: {  	s14 =	sadd.s32 s11, s21;
	s15 =	simm.s32 $0x15E00  }
0x95: {  	[hbm4b:s14+s1] =	stream.linear.scatter [tilespmem:s15], [sflag:$0x8], $0xC80, $0x38;
	[tilespmem:$0x1A900] =	vst v63  }
0x96: {  	s14 =	sadd.s32 s11, s20;
	s15 =	simm.s32 $0x16A80  }
0x97: {  	[hbm4b:s14+s1] =	stream.linear.scatter [tilespmem:s15], [sflag:$0x8], $0xC80, $0x38;
	[tilespmem:$0x1A900] =	vst v63  }
0x98: {  	s14 =	sadd.s32 s11, s19;
	s15 =	simm.s32 $0x17700  }
0x99: {  	[hbm4b:s14+s1] =	stream.linear.scatter [tilespmem:s15], [sflag:$0x8], $0xC80, $0x38;
	[tilespmem:$0x1A900] =	vst v63  }
0x9a: {  	s14 =	sadd.s32 s11, s18;
	s15 =	simm.s32 $0x18380  }
0x9b: {  	[hbm4b:s14+s1] =	stream.linear.scatter [tilespmem:s15], [sflag:$0x8], $0xC80, $0x38;
	[tilespmem:$0x1A900] =	vst v63  }
.Ltmp2:
0x9c: {  	_ = 	snop;
	(pc) =	sbr.rel @p0 .LBB2_4-.Ltmp2, $4  }
0x9d: {  	s14 =	sadd.s32 s11, s17;
	s15 =	simm.s32 $0x19000  }
0x9e: {  	[hbm4b:s14+s1] =	stream.linear.scatter [tilespmem:s15], [sflag:$0x8], $0xC80, $0x38;
	[tilespmem:$0x1A900] =	vst v63  }
0x9f: {  	s14 =	sadd.s32 s11, s16;
	s15 =	simm.s32 $0x19C80  }
0xa0: {  	[hbm4b:s14+s1] =	stream.linear.scatter [tilespmem:s15], [sflag:$0x8], $0xC80, $0x38;
	[tilespmem:$0x1A900] =	vst v63  }
.Ltmp3:
0xa1: {  	_ =	swait.ge [sflag:s9], $0x6400;
	(pc) =	sbr.rel .LBB2_2-.Ltmp3, $4  }
0xa2: {  	[sflag:s9] =	ssyncset.done $0x0  }
0xa3: {  	[sflag:s9] =	ssyncadd.s32 $0xFFFF9C00  }
0xa4: {  	[tilespmem:s2], [sflag:$0x2] =	stream.indirect.gather [hbm4b:s29+s0], $0x40, s10, s0, $0xb8;
	[tilespmem:$0x1A900] =	vst v63  }
0xa5: {  	s11 =	sadd.s32 $0x3200, s11;
	s10 =	sadd.s32 $0x640, s10  }
.LBB2_5:
0xa6: {  	_ =	sfence.sel $0x180000  }
0xa7: {  	[bflag:$0x0] =	sbarrier.arrive $0xFFFF  }
0xa8: {  	_ =	strace $0x90000047  }
0xa9: {  	s0 =	stileid.u32;
	[bflag:$0x2] =	sbarrier.arrive $0xFFFF  }
0xaa: {  	p0 =	sne.s32 s0, $0x0;
	s0 =	rddreg [dreg:$0x2]  }
0xab: {  	s0 =	sadd.s32 @!p0 $0x100000, s0  }
0xac: {  	[sflag:s0] =	ssyncadd.tile.s32 @!p0 $0x1;
	_ =	shalt  }
.Lfunc_end2:
_tile_overlayer_lowered:
.L_overlay_start_2:
0xad: {  	(tag) =	ssettag $0x2  }
0xae: {  	s0 =	rddreg [dreg:$0x0];
	s2 =	stileid.u32  }
0xaf: {  	s1 =	rddreg [dreg:$0x1];
	p0 =	sne.s32 s2, $0x0  }
0xb0: {  	s3 =	rddreg [dreg:$0x2];
	[bflag:$0x3] =	sbarrier.arrive $0xFFFF;
	s2 =	simm.s32 @!p0 $0x1C09  }
0xb1: {  	[timem:s3], [sflag:s2] =	dma.local @!p0 [hbm:s0], s1  }
0xb2: {  	s0 =	simm.s32 @!p0 $0x9  }
0xb3: {  	_ =	swait.ge @!p0 [sflag:s0], s1  }
0xb4: {  	s1 =	ssub.s32 @!p0 $0x0, s1;
	[sflag:s0] =	ssyncset.done @!p0 $0x0  }
0xb5: {  	[sflag:s0] =	ssyncadd.s32 @!p0 s1  }
0xb6: {  	[bflag:$0x3] =	sbarrier.arrive $0xFFFF  }
0xb7: {  	_ =	shalt  }

// kernel: sparse-core-data-format-call.cloned.1.call-start
scs
called_computation_lowered:
.L_overlay_start_0:
0x0: {  	s2 =	sld [smem:$0x3FD9]  }
0x1: {  	s3 =	sld [smem:$0x3FFE];
	_ =	sdelay $0x1  }
0x2: {  	s1 =	srdreg.scid  }
0x3: {  	s0 =	sand.u32 $0x1, s1  }
0x4: {  	s18 =	sshll.u32 s0, $0xA;
	s2 =	sadd.s32 s3, s2  }
0x5: {  	s2 =	sadd.s32 s2, s18  }
0x6: {  	[smem:$0x3FC6] =	sst s2  }
0x7: {  	_ = 	snop  }
0x8: {  	s2 =	sld [smem:$0x3FD0];
	(tm) =	ssettm $0x1  }
0x9: {  	s19 =	sld [smem:$0x3FFB];
	_ =	sdelay $0x3  }
0xa: {  	_ =	strace s19  }
0xb: {  	s3 =	sld [smem:$0x3FFC];
	_ =	sdelay $0x3  }
0xc: {  	_ =	strace s3  }
0xd: {  	s3 =	sld [smem:$0x3FFD];
	_ =	sdelay $0x3  }
0xe: {  	_ =	strace s3  }
0xf: {  	_ =	strace $0x8FFFFFFF  }
0x10: {  	s20 =	sld [smem:$0x3FDB];
	_ =	sdelay $0x1  }
0x11: {  	s4 =	simm.s32 $_scs_section_size  }
0x12: {  	s5 =	simm.s32 $_size__tile_overlayer_lowered;
	s6 =	simm.s32 $_tile_overlayer_lowered  }
0x13: {  	s23 =	simm.s32 $0x1BFF;
	s22 =	sshll.u32 s6, $0x1;
	s3 =	sadd.s32 s4, s20  }
0x14: {  	s7 =	simm.s32 $0x0;
	s21 =	sshll.u32 s5, $0x1;
	s5 =	sadd.s32 s22, s3  }
0x15: {  	[timem:s7], [sflag:s23] =	dma.local [hbm:s5], s21  }
0x16: {  	_ =	swait.ge [sflag:s23], s21  }
0x17: {  	s4 =	ssub.s32 $0x0, s21;
	[sflag:s23] =	ssyncset.done $0x0  }
0x18: {  	[sflag:s23] =	ssyncadd.s32 s4;
	_ =	sdelay $0x1  }
0x19: {  	s24 =	simm.s32 $0x1B8B  }
0x1a: {  	_ =	swait.ge [sflag:s24], $0x1  }
0x1b: {  	[sflag:s24] =	ssyncset.done $0x0  }
0x1c: {  	s26 =	simm.s32 $0x1B8E;
	s25 =	sld [smem:$0x3FFE];
	[sflag:s24] =	ssyncadd.s32 $0xFFFFFFFF  }
0x1d: {  	s27 =	simm.s32 $execute0_lowered;
	[smem:$0x3FD2] =	sst s26  }
0x1e: {  	s5 =	sshll.u32 s27, $0x1;
	_ =	strace $0x80000049;
	[dreg:$0x1] =	wrdreg $0xFFFFFFFF  }
0x1f: {  	s28 =	simm.s32 $_size_execute0_lowered;
	s3 =	sadd.s32 s3, s5;
	[dreg:$0x0] =	wrdreg $0x0  }
0x20: {  	s5 =	sshll.u32 s28, $0x1;
	[dreg:$0x2] =	wrdreg s3  }
0x21: {  	[dreg:$0x3] =	wrdreg s5  }
0x22: {  	[dreg:$0x4] =	wrdreg $0xC0  }
0x23: {  	_ =	task [dreg:s7], $0x5FFFF  }
0x24: {  	[dreg:$0x1] =	wrdreg $0xFFFFFFFF  }
0x25: {  	[dreg:$0x0] =	wrdreg $0x60  }
0x26: {  	[dreg:$0x2] =	wrdreg s25  }
0x27: {  	[dreg:$0x3] =	wrdreg s2  }
0x28: {  	[dreg:$0x4] =	wrdreg $0x9  }
0x29: {  	_ =	task.clear_ibuf [dreg:s7], $0x5FFFF;
	_ =	strace $0x90000049  }
0x2a: {  	s29 =	simm.s32 $0x9;
	_ =	strace $0x8000004B  }
0x2b: {  	_ =	swait.ge [sflag:s29], $0x1  }
0x2c: {  	[sflag:s29] =	ssyncadd.s32 $0xFFFFFFFF  }
0x2d: {  	_ =	strace $0x9000004B  }
0x2e: {  	_ =	sfence  }
0x2f: {  	s30 =	sld [smem:$0x0];
	_ =	sdelay $0x2  }
0x30: {  	s31 =	sshll.u32 s1, $0xD;
	s1 =	sshrl.u32 s1, $0x2  }
0x31: {  	s3 =	sand.u32 $0x4000, s31;
	s1 =	sadd.s32 s1, s30  }
0x32: {  	s0 =	sor.u32 s3, s0;
	s1 =	sshll.u32 s1, $0x11  }
0x33: {  	s0 =	sor.u32 s1, s0  }
0x34: {  	s0 =	sadd.s32 $0x8F2B, s0  }
0x35: {  	[sflag:s0] =	ssyncadd.remote.s32 $0x1  }
0x36: {  	_ =	sfence.sel $0xFFFF  }
0x37: {  	[dreg:$0x0] =	wrdreg $0xFFFFFFFF;
	(pc) =	sbr.abs _section_cstart, $3  }
0x38: {  	[dreg:$0x1] =	wrdreg $0xFFFFFFFF  }
0x39: {  	_ =	task.clear_ibuf [dreg:s7], $0x2FFFF;
	_ =	strace $0x9FFFFFFF  }
0x3a: {  	(tm) =	ssettm $0x7FFFFFFF  }
0x3b: {  	_ =	shalt  }
tec
execute0_lowered:
.L_overlay_start_1:
0x0: {  	(tag) =	ssettag $0x1  }
0x1: {  	s0 =	srdreg.scid  }
0x2: {  	s1 =	sshll.u32 s0, $0x4  }
0x3: {  	s0 =	stileid.u32;
	s1 =	sand.u32 $0x10, s1  }
0x4: {  	s1 =	sor.u32 s0, s1  }
0x5: {  	s6 =	rddreg [dreg:$0x0];
	s4 =	simm.s32 $0x1;
	s2 =	sshll.u32 s1, $0x7  }
0x6: {  	s7 =	simm.s32 $0x2;
	s12 =	simm.s32 $0x0;
	s1 =	ssub.s32 $0x1000, s2  }
0x7: {  	s8 =	simm.s32 $0x8000;
	s13 =	simm.s32 $0x0;
	s3 =	sand.u32 $0xF80, s1  }
0x8: {  	s9 =	simm.s32 $0x0;
	s5 =	sshrl.u32 s1, $0xC;
	p0 =	sne.s32 s3, $0x0  }
.Ltmp0:
0x9: {  	s1 =	rddreg [dreg:$0x2];
	s4 =	simm.s32 @!p0 $0x0;
	(pc) =	sbr.rel .LBB1_1-.Ltmp0, $4  }
0xa: {  	s11 =	simm.s32 $0x0;
	s3 =	rddreg [dreg:$0x1];
	s5 =	sadd.s32 s4, s5  }
0xb: {  	_ =	strace $0x8000004A;
	s4 =	simm.s32 $0x1;
	s5 =	smul.u32 $0x32, s5  }
0xc: {  	s6 =	sadd.s32 $0x800, s6;
	s10 =	smov.u32 s2;
	[sflag:s4] =	ssyncpa.u1 $0x0  }
0xd: {  	p0 =	por $0x0, $0x0;
	[sflag:s7] =	ssyncpa.u1 $0x0;
	s7 =	sor.u32 $0x1, s5  }
.LBB1_4:
0xe: {  	s16 =	sshll.u32 s13, $0x3;
	s17 =	sand.u32 $0x78, s13  }
0xf: {  	s30 =	sand.u32 $0x7E00, s13;
	s12 =	sshll.u32 s12, $0xF;
	s16 =	sand.u32 $0xC00, s16  }
0x10: {  	[tilespmem:s15+$0x810 ss:$0x81] =	vst.msk $0xffff, v2;
	s31 =	sand.u32 $0x7, s13;
	s16 =	sor.u32 s17, s16;
	s17 =	sadd.s32 s3, s30  }
0x11: {  	[tilespmem:s15+$0x1020 ss:$0x81] =	vst.msk $0xffff, v0;
	s13 =	sshll.u32 s31, $0x12;
	s12 =	sadd.s32 s12, s17;
	s16 =	sshrl.u32 s16, $0x3  }
0x12: {  	[tilespmem:s15+$0x0 ss:$0x81] =	vst.msk $0xffff, v1;
	s13 =	sor.u32 $0x400, s13;
	s12 =	sadd.s32 s16, s12  }
0x13: {  	[hbm4b:s12+s13] =	stream.strided.scatter [tilespmem:s14], [sflag:$0x2], $0x2000, s8, s13, $0x20;
	[tilespmem:$0x8080] =	vst v63  }
.LBB1_5:
0x14: {  	s14 =	sadd.s32 $0x1, s9  }
0x15: {  	s12 =	sadd.s32 $0x1000, s10;
	s16 =	smov.u32 s10;
	p2 =	sgt.s32 s14, $0x31  }
0x16: {  	s16 =	smov.u32 @p2 s12  }
0x17: {  	s14 =	simm.s32 @p2 $0x0;
	p2 =	sgt.s32 s16, $0xFFF  }
0x18: {  	s16 =	smov.u32 @p2 s2;
	p2 =	sne.s32 s11, s7  }
.Ltmp1:
0x19: {  	p1 =	slt.u32 s11, $0x2;
	(pc) =	sbr.rel @!p2 .LBB1_6-.Ltmp1, $4  }
0x1a: {  	s15 =	simm.s32 @!p1 $0x2  }
0x1b: {  	s13 =	smov.u32 s10;
	p0 =	por !p0, !p0;
	_ =	swait.ge @!p1 [sflag:s15], $0x2000  }
0x1c: {  	s12 =	smov.u32 s9;
	[sflag:s15] =	ssyncset.done @!p1 $0x0;
	s9 =	smov.u32 s14  }
0x1d: {  	s11 =	sadd.s32 $0x1, s11;
	[sflag:s15] =	ssyncadd.s32 @!p1 $0xFFFFE000;
	s10 =	smov.u32 s16  }
.LBB1_1:
0x1e: {  	p1 =	sge.u32 s11, s5  }
0x1f: {  	s14 =	sand.u32 @!p1 $0x1FFFFFF, s9  }
0x20: {  	s15 =	smulhi.u32 @!p1 $0x4924925, s14;
	_ =	sdelay $0x1  }
0x21: {  	s15 =	smul.u32 @!p1 $0x38, s15  }
0x22: {  	s16 =	sxor.u32 @!p1 $0xFFFFFFFF, s11;
	s17 =	smul.u32 @!p1 $0x380, s10  }
0x23: {  	s31 =	sadd.s32 $0xFFFFFFFF, s11;
	s16 =	sshll.u32 @!p1 s16, $0xD;
	s14 =	ssub.s32 @!p1 s14, s15  }
0x24: {  	s15 =	sand.u32 @!p1 $0x2000, s16;
	s16 =	sadd.s32 @!p1 s6, s17;
	s14 =	sshll.u32 @!p1 s14, $0x4  }
0x25: {  	s17 =	simm.s32 @!p1 $0x1C00;
	s14 =	sadd.s32 @!p1 s14, s16;
	s16 =	simm.s32 @!p1 $0x40  }
0x26: {  	[tilespmem:s15], [sflag:$0x1] =	stream.strided.gather @!p1 [hbm4b:s14+s16], $0x2000, s17, s16, $0x38;
	[tilespmem:$0x8080] =	vst v63  }
0x27: {  	p1 =	sge.u32 s31, s5  }
.Ltmp2:
0x28: {  	_ = 	snop;
	(pc) =	sbr.rel @p1 .LBB1_5-.Ltmp2, $1  }
0x29: {  	_ =	sdelay $0x3  }
0x2a: {  	s14 =	simm.s32 $0x1  }
0x2b: {  	_ =	swait.ge [sflag:s4], $0x2000;
	s14 =	simm.s32 @!p0 $0x0  }
0x2c: {  	[sflag:s4] =	ssyncset.done $0x0;
	s15 =	sshll.u32 s14, $0xD  }
0x2d: {  	[sflag:s4] =	ssyncadd.s32 $0xFFFFE000;
	s18 =	sor.u32 $0x20, s15  }
0x2e: {  	s14 =	smul.u32 $0x8100, s14;
	v3 =	vld [tilespmem:s18+$0x10]  }
0x2f: {  	s30 =	sand.u32 $0x1, s11;
	v2 =	vld [tilespmem:s18+$0xFFFFFFF0]  }
0x30: {  	s15 =	smul.u32 $0x8100, s30;
	s14 =	sshrl.u32 s14, $0x2;
	v0 =	vld [tilespmem:s18+$0x0]  }
0x31: {  	v1 =	vld [tilespmem:s18+$0xFFFFFFE0];
	s16 =	sor.u32 $0x4000, s14  }
0x32: {  	s31 =	sshrl.u32 s15, $0x2;
	s15 =	sadd.s32 $0x0, s16  }
0x33: {  	s17 =	simm.s32 $0x4;
	s18 =	sadd.s32 $0x40, s18;
	s14 =	sor.u32 $0x4000, s31;
	[tilespmem:s15+$0x1830 ss:$0x81] =	vst.msk $0xffff, v3  }
.LBB1_3:
0x34: {  	v3 =	vld [tilespmem:s18+$0x10];
	p1 =	sne.s32 s17, $0x1FC;
	[tilespmem:s15+$0x810 ss:$0x81] =	vst.msk $0xffff, v2;
	s19 =	smov.u32 s17;
	s17 =	sadd.s32 $0x4, s17  }
.Ltmp3:
0x35: {  	v2 =	vld [tilespmem:s18+$0xFFFFFFF0];
	[tilespmem:s15+$0x1020 ss:$0x81] =	vst.msk $0xffff, v0;
	(pc) =	sbr.rel @p1 .LBB1_3-.Ltmp3, $4  }
0x36: {  	v0 =	vld [tilespmem:s18+$0x0];
	[tilespmem:s15+$0x0 ss:$0x81] =	vst.msk $0xffff, v1  }
0x37: {  	s15 =	sshra.s32 s19, $0x2;
	v1 =	vld [tilespmem:s18+$0xFFFFFFE0]  }
0x38: {  	s15 =	sadd.s32 s15, s16  }
0x39: {  	s18 =	sadd.s32 $0x40, s18;
	[tilespmem:s15+$0x1830 ss:$0x81] =	vst.msk $0xffff, v3  }
.Ltmp4:
0x3a: {  	_ = 	snop;
	(pc) =	sbr.rel .LBB1_4-.Ltmp4, $1  }
0x3b: {  	_ =	sdelay $0x3  }
.LBB1_6:
0x3c: {  	_ =	sfence.sel $0x180000  }
0x3d: {  	s2 =	simm.s32 $0x1;
	[bflag:$0x0] =	sbarrier.arrive $0xFFFF  }
0x3e: {  	s31 =	simm.s32 $0x2;
	[sflag:s2] =	ssyncpa.u1 $0x1  }
0x3f: {  	[sflag:s31] =	ssyncpa.u1 $0x1  }
0x40: {  	p0 =	sne.s32 s0, $0x0;
	_ =	strace $0x9000004A  }
0x41: {  	s0 =	sadd.s32 @!p0 $0x100000, s1;
	[bflag:$0x2] =	sbarrier.arrive $0xFFFF  }
0x42: {  	[sflag:s0] =	ssyncadd.tile.s32 @!p0 $0x1;
	_ =	shalt  }
.Lfunc_end1:
_tile_overlayer_lowered:
.L_overlay_start_2:
0x43: {  	(tag) =	ssettag $0x2  }
0x44: {  	s0 =	rddreg [dreg:$0x0];
	s2 =	stileid.u32  }
0x45: {  	s1 =	rddreg [dreg:$0x1];
	p0 =	sne.s32 s2, $0x0  }
0x46: {  	s3 =	rddreg [dreg:$0x2];
	[bflag:$0x3] =	sbarrier.arrive $0xFFFF;
	s2 =	simm.s32 @!p0 $0x1C01  }
0x47: {  	[timem:s3], [sflag:s2] =	dma.local @!p0 [hbm:s0], s1  }
0x48: {  	s0 =	simm.s32 @!p0 $0x1  }
0x49: {  	_ =	swait.ge @!p0 [sflag:s0], s1  }
0x4a: {  	s1 =	ssub.s32 @!p0 $0x0, s1;
	[sflag:s0] =	ssyncset.done @!p0 $0x0  }
0x4b: {  	[sflag:s0] =	ssyncadd.s32 @!p0 s1  }
0x4c: {  	[bflag:$0x3] =	sbarrier.arrive $0xFFFF  }
0x4d: {  	_ =	shalt  }

</sc_bundles>
